<compile_context>
chip_gen: v7x
topology: tpu7x:2x2x1
jax: 0.10.2.dev20260603
libtpu: 0.0.44.dev20260713+nightly
codegen_flags: <defaults>
</compile_context>

<pallas_src>
import functools

import jax
import jax.numpy as jnp
from jax import lax
from jax.experimental import pallas as pl
from jax.experimental.pallas import tpu as pltpu
from jax.experimental.pallas import tpu_sc as plsc

NC = 2
NS = 16
NW = NC * NS
EB = 128
NB = 79
E_PAD = NW * NB * EB
NACC = 79 * EB
RPT = NACC // NS
DUMMY = 10016
HID1 = 64

_MESH = plsc.VectorSubcoreMesh(core_axis_name="c", subcore_axis_name="s")


DEG_W = 128
NBD = E_PAD // (NS * EB)


@functools.partial(
    pl.kernel,
    mesh=_MESH,
    out_type=jax.ShapeDtypeStruct((NC, NACC, DEG_W), jnp.float32),
    scratch_types=[
        pltpu.VMEM((NBD, EB), jnp.int32),
        pltpu.VMEM((EB, DEG_W), jnp.float32),
        pltpu.VMEM_SHARED((NACC, DEG_W), jnp.float32),
    ],
)
def _deg_kernel(idx_hbm, ones_hbm, zeros_hbm, out_hbm, idx_v, ones_v, acc):
  c = lax.axis_index("c")
  s = lax.axis_index("s")
  r0 = s * RPT
  pltpu.sync_copy(zeros_hbm.at[pl.ds(r0, RPT)], acc.at[pl.ds(r0, RPT)])
  pltpu.sync_copy(ones_hbm, ones_v)
  pltpu.sync_copy(idx_hbm.at[c, s], idx_v)
  plsc.subcore_barrier()

  def body(j, carry):
    pltpu.sync_copy(ones_v, acc.at[idx_v.at[j]], add=True)
    return carry

  lax.fori_loop(0, NBD, body, 0)
  plsc.subcore_barrier()
  pltpu.sync_copy(acc.at[pl.ds(r0, RPT)], out_hbm.at[c, pl.ds(r0, RPT)])


D_SC = 128


@functools.partial(
    pl.kernel,
    mesh=_MESH,
    out_type=jax.ShapeDtypeStruct((NC, NACC, D_SC), jnp.float32),
    scratch_types=[
        pltpu.VMEM((NB, EB), jnp.int32),
        pltpu.VMEM((NB, EB), jnp.int32),
        pltpu.VMEM((EB, D_SC), jnp.float32),
        pltpu.VMEM_SHARED((NACC, D_SC), jnp.float32),
        pltpu.SemaphoreType.DMA,
    ],
)
def _scatter_kernel(z_hbm, src_hbm, dst_hbm, zeros_hbm, out_hbm,
                    src_v, dst_v, rows_v, acc, sem):
  c = lax.axis_index("c")
  s = lax.axis_index("s")
  wid = s * NC + c
  r0 = s * RPT
  pltpu.sync_copy(zeros_hbm.at[pl.ds(r0, RPT)], acc.at[pl.ds(r0, RPT)])
  pltpu.sync_copy(src_hbm.at[wid], src_v)
  pltpu.sync_copy(dst_hbm.at[wid], dst_v)
  plsc.subcore_barrier()

  def body(j, carry):
    pltpu.async_copy(z_hbm.at[src_v.at[j]], rows_v, sem).wait()
    pltpu.sync_copy(rows_v, acc.at[dst_v.at[j]], add=True)
    return carry

  lax.fori_loop(0, NB, body, 0)
  plsc.subcore_barrier()
  pltpu.sync_copy(acc.at[pl.ds(r0, RPT)], out_hbm.at[c, pl.ds(r0, RPT)])


def _tc_prep_body(x_ref, w_ref, ho_ref, hi_ref, z_ref, ro_ref, ri_ref):
  deg_o = jnp.maximum(ho_ref[:, 0:1], 1.0)
  deg_i = jnp.maximum(hi_ref[:, 0:1], 1.0)
  ro = lax.rsqrt(deg_o)
  ri = lax.rsqrt(deg_i)
  ro_ref[...] = ro
  ri_ref[...] = ri
  z = jnp.dot(x_ref[...] * ro, w_ref[...],
              preferred_element_type=jnp.float32)
  z_ref[...] = jnp.concatenate(
      [z, jnp.zeros((z.shape[0], D_SC - z.shape[1]), jnp.float32)], axis=1)


def _tc_mid_body(g_ref, ri_ref, ro_ref, w_ref, z_ref):
  g = g_ref[0, :, :HID1] + g_ref[1, :, :HID1]
  h1 = jnp.maximum(g * ri_ref[...], 0.0)
  z = jnp.dot(h1 * ro_ref[...], w_ref[...],
              preferred_element_type=jnp.float32)
  z_ref[...] = jnp.concatenate(
      [z, jnp.zeros((z.shape[0], D_SC - z.shape[1]), jnp.float32)], axis=1)


def _tc_out_body(g_ref, ri_ref, o_ref):
  ncls = o_ref.shape[1]
  o_ref[...] = (g_ref[0, :, :ncls] + g_ref[1, :, :ncls]) * ri_ref[...]


def kernel(x, edge_index, W1, W2):
  n_nodes = x.shape[0]
  n_edges = edge_index.shape[1]
  d_in = x.shape[1]
  h1 = W1.shape[1]
  n_cls = W2.shape[1]
  pad = E_PAD - n_edges

  src = edge_index[0]
  dst = edge_index[1]
  pad_rows = n_nodes + (
      jax.lax.iota(jnp.int32, pad) % jnp.int32(NACC - n_nodes))
  src_g = jnp.concatenate([src, pad_rows]).reshape(NW, NB, EB)
  src_d = src_g
  dst_p = jnp.concatenate([dst, pad_rows]).reshape(NW, NB, EB)

  xp = jnp.pad(x, ((0, NACC - n_nodes), (0, 0)))
  ones_deg = jnp.ones((EB, DEG_W), jnp.float32)
  zeros_deg = jnp.zeros((NACC, DEG_W), jnp.float32)
  zeros_w = jnp.zeros((NACC, D_SC), jnp.float32)

  idx_deg = jnp.stack([src_d.reshape(NS, NBD, EB),
                       dst_p.reshape(NS, NBD, EB)])
  degs = _deg_kernel(idx_deg, ones_deg, zeros_deg)
  deg_o = degs[0]
  deg_i = degs[1]

  z1, r_out, r_in = pl.pallas_call(
      _tc_prep_body,
      out_shape=[
          jax.ShapeDtypeStruct((NACC, D_SC), jnp.float32),
          jax.ShapeDtypeStruct((NACC, 1), jnp.float32),
          jax.ShapeDtypeStruct((NACC, 1), jnp.float32),
      ],
  )(xp, W1, deg_o, deg_i)

  g1 = _scatter_kernel(z1, src_g, dst_p, zeros_w)

  z2 = pl.pallas_call(
      _tc_mid_body,
      out_shape=jax.ShapeDtypeStruct((NACC, D_SC), jnp.float32),
  )(g1, r_in, r_out, W2)

  g2 = _scatter_kernel(z2, src_g, dst_p, zeros_w)

  out = pl.pallas_call(
      _tc_out_body,
      out_shape=jax.ShapeDtypeStruct((NACC, n_cls), jnp.float32),
  )(g2, r_in)

  return out[:n_nodes]

# --- scband reference (transcript-rebuilt; emitter-appended) ---
"""Pipeline reference for scband-gcn-13872744366338 (READ-ONLY COPY).

The authoritative reference and input builder live on the scoring server;
editing this copy changes nothing except your own understanding.
"""

import jax, jax.numpy as jnp
import numpy as np

N_NODES = 10000
N_EDGES = 320000
D_IN = 128
HIDDEN1 = 64
N_CLASSES = 16


def setup_inputs(seed: int = 0) -> dict:
    key = jax.random.key(seed)
    k1, k2, k3, k4 = jax.random.split(key, 4)
    x = jax.random.normal(k1, (N_NODES, D_IN), dtype=jnp.float32)
    edge_index = jax.random.randint(k2, (2, N_EDGES), 0, N_NODES, dtype=jnp.int32)
    # Glorot-style init for the two GraphConvolution weight matrices
    W1 = jax.random.uniform(k3, (D_IN, HIDDEN1), dtype=jnp.float32,
                            minval=-np.sqrt(6.0 / (D_IN + HIDDEN1)),
                            maxval=np.sqrt(6.0 / (D_IN + HIDDEN1)))
    W2 = jax.random.uniform(k4, (HIDDEN1, N_CLASSES), dtype=jnp.float32,
                            minval=-np.sqrt(6.0 / (HIDDEN1 + N_CLASSES)),
                            maxval=np.sqrt(6.0 / (HIDDEN1 + N_CLASSES)))
    return {"x": x, "edge_index": edge_index, "W1": W1, "W2": W2}


def reference(x, edge_index, W1, W2):
    # 2-layer GCN: out = A_hat @ relu(A_hat @ X @ W1) @ W2
    # A_hat is the symmetrically-normalized adjacency (the 'support'
    # placeholder in the original TF1 code), realized here via
    # gather (SparseCore) + segment_sum (scatter-add).
    src = edge_index[0]
    dst = edge_index[1]
    ones = jnp.ones((src.shape[0],), dtype=jnp.float32)
    deg_out = jnp.maximum(jax.ops.segment_sum(ones, src, num_segments=N_NODES), 1.0)
    deg_in = jnp.maximum(jax.ops.segment_sum(ones, dst, num_segments=N_NODES), 1.0)
    norm = jax.lax.rsqrt(deg_out[src] * deg_in[dst])  # per-edge D^-1/2 A D^-1/2

    def gcn_layer(h, W):
        msgs = h[src] * norm[:, None]                      # gather
        agg = jax.ops.segment_sum(msgs, dst, num_segments=N_NODES)  # scatter-add
        return agg @ W

    h1 = jnp.maximum(gcn_layer(x, W1), 0.0)  # act = relu
    out = gcn_layer(h1, W2)                  # act = identity
    return out

if __name__ == "__main__":
    import jax
    _d = setup_inputs()
    print(jax.jit(kernel)(*tuple(_d.values())))

</pallas_src>

<mosaic_0001>
#map = affine_map<(d0, d1) -> (0, 0, 0, 0)>
#map1 = affine_map<(d0, d1) -> (0, 0)>
#map2 = affine_map<(d0, d1) -> (0, 0, 0)>
module attributes {stable_mosaic.version = 14 : i64} {
  func.func @_deg_kernel(%arg0: i32, %arg1: i32, %arg2: memref<2x16x158x128xi32, #tpu.memory_space<hbm>>, %arg3: memref<128x128xf32, #tpu.memory_space<hbm>>, %arg4: memref<10112x128xf32, #tpu.memory_space<hbm>>, %arg5: memref<2x10112x128xf32, #tpu.memory_space<hbm>>, %arg6: memref<158x128xi32, #tpu.memory_space<vmem>>, %arg7: memref<128x128xf32, #tpu.memory_space<vmem>>, %arg8: memref<10112x128xf32, #tpu.memory_space<vmem_shared>>) attributes {dimension_semantics = [#tpu.dimension_semantics<core_parallel>, #tpu.dimension_semantics<subcore_parallel>], iteration_bounds = array<i64: 2, 16>, scalar_prefetch = 0 : i64, scratch_operands = 3 : i64, tpu.core_type = #tpu.core_type<sc_vector_subcore>, window_params = [{transform_indices = #map}, {transform_indices = #map1}, {transform_indices = #map1}, {transform_indices = #map2}]} {
    %mul3A = arith.constant 632 : i32
    %mul3A_0 = arith.muli %arg1, %mul3A : i32
    "tpu.region"() ({
      %run_scoped3A = tpu.sem_alloc : memref<!tpu.dma_semaphore, #tpu.memory_space<semaphore_mem>>
      %dma_start3A = arith.constant 0 : i32
      %dma_start3A_7 = tpu.memref_slice %arg8[%mul3A_0, %dma_start3A] : memref<10112x128xf32, #tpu.memory_space<vmem_shared>> -> memref<632x128xf32, #tpu.memory_space<vmem_shared>>
      %dma_start3A_8 = arith.constant 0 : i32
      %dma_start3A_9 = tpu.memref_slice %arg4[%mul3A_0, %dma_start3A_8] : memref<10112x128xf32, #tpu.memory_space<hbm>> -> memref<632x128xf32, #tpu.memory_space<hbm>>
      tpu.enqueue_dma source(%dma_start3A_9 : memref<632x128xf32, #tpu.memory_space<hbm>>) target(%dma_start3A_7 : memref<632x128xf32, #tpu.memory_space<vmem_shared>>) target_semaphore(%run_scoped3A : memref<!tpu.dma_semaphore, #tpu.memory_space<semaphore_mem>>)
      %dma_wait3A = arith.constant 0 : i32
      %dma_wait3A_10 = tpu.memref_slice %arg8[%mul3A_0, %dma_wait3A] : memref<10112x128xf32, #tpu.memory_space<vmem_shared>> -> memref<632x128xf32, #tpu.memory_space<vmem_shared>>
      %dma_wait3A_11 = arith.constant 0 : i32
      %dma_wait3A_12 = tpu.memref_slice %arg4[%mul3A_0, %dma_wait3A_11] : memref<10112x128xf32, #tpu.memory_space<hbm>> -> memref<632x128xf32, #tpu.memory_space<hbm>>
      tpu.wait_dma2 semaphore(%run_scoped3A : memref<!tpu.dma_semaphore, #tpu.memory_space<semaphore_mem>>) src(%dma_wait3A_12 : memref<632x128xf32, #tpu.memory_space<hbm>>) dst(%dma_wait3A_10 : memref<632x128xf32, #tpu.memory_space<vmem_shared>>)
      tpu.yield
    }) : () -> ()
    "tpu.region"() ({
      %run_scoped3A = tpu.sem_alloc : memref<!tpu.dma_semaphore, #tpu.memory_space<semaphore_mem>>
      tpu.enqueue_dma source(%arg3 : memref<128x128xf32, #tpu.memory_space<hbm>>) target(%arg7 : memref<128x128xf32, #tpu.memory_space<vmem>>) target_semaphore(%run_scoped3A : memref<!tpu.dma_semaphore, #tpu.memory_space<semaphore_mem>>)
      tpu.wait_dma2 semaphore(%run_scoped3A : memref<!tpu.dma_semaphore, #tpu.memory_space<semaphore_mem>>) src(%arg3 : memref<128x128xf32, #tpu.memory_space<hbm>>) dst(%arg7 : memref<128x128xf32, #tpu.memory_space<vmem>>)
      tpu.yield
    }) : () -> ()
    "tpu.region"() ({
      %run_scoped3A = tpu.sem_alloc : memref<!tpu.dma_semaphore, #tpu.memory_space<semaphore_mem>>
      %dma_start3A = arith.constant 0 : i32
      %dma_start3A_7 = arith.constant 0 : i32
      %dma_start3A_8 = tpu.memref_slice %arg2[%arg0, %arg1, %dma_start3A, %dma_start3A_7] : memref<2x16x158x128xi32, #tpu.memory_space<hbm>> -> memref<1x1x158x128xi32, #tpu.memory_space<hbm>>
      %dma_start3A_9 = tpu.memref_squeeze %dma_start3A_8 : memref<1x1x158x128xi32, #tpu.memory_space<hbm>> -> memref<158x128xi32, #tpu.memory_space<hbm>>
      %dma_start3A_10 = arith.constant 0 : i32
      %dma_start3A_11 = arith.constant 0 : i32
      %dma_start3A_12 = tpu.memref_slice %arg2[%arg0, %arg1, %dma_start3A_10, %dma_start3A_11] : memref<2x16x158x128xi32, #tpu.memory_space<hbm>> -> memref<1x1x158x128xi32, #tpu.memory_space<hbm>>
      %dma_start3A_13 = tpu.memref_squeeze %dma_start3A_12 : memref<1x1x158x128xi32, #tpu.memory_space<hbm>> -> memref<158x128xi32, #tpu.memory_space<hbm>>
      tpu.enqueue_dma source(%dma_start3A_13 : memref<158x128xi32, #tpu.memory_space<hbm>>) target(%arg6 : memref<158x128xi32, #tpu.memory_space<vmem>>) target_semaphore(%run_scoped3A : memref<!tpu.dma_semaphore, #tpu.memory_space<semaphore_mem>>)
      %dma_wait3A = arith.constant 0 : i32
      %dma_wait3A_14 = arith.constant 0 : i32
      %dma_wait3A_15 = tpu.memref_slice %arg2[%arg0, %arg1, %dma_wait3A, %dma_wait3A_14] : memref<2x16x158x128xi32, #tpu.memory_space<hbm>> -> memref<1x1x158x128xi32, #tpu.memory_space<hbm>>
      %dma_wait3A_16 = tpu.memref_squeeze %dma_wait3A_15 : memref<1x1x158x128xi32, #tpu.memory_space<hbm>> -> memref<158x128xi32, #tpu.memory_space<hbm>>
      %dma_wait3A_17 = arith.constant 0 : i32
      %dma_wait3A_18 = arith.constant 0 : i32
      %dma_wait3A_19 = tpu.memref_slice %arg2[%arg0, %arg1, %dma_wait3A_17, %dma_wait3A_18] : memref<2x16x158x128xi32, #tpu.memory_space<hbm>> -> memref<1x1x158x128xi32, #tpu.memory_space<hbm>>
      %dma_wait3A_20 = tpu.memref_squeeze %dma_wait3A_19 : memref<1x1x158x128xi32, #tpu.memory_space<hbm>> -> memref<158x128xi32, #tpu.memory_space<hbm>>
      tpu.wait_dma2 semaphore(%run_scoped3A : memref<!tpu.dma_semaphore, #tpu.memory_space<semaphore_mem>>) src(%dma_wait3A_20 : memref<158x128xi32, #tpu.memory_space<hbm>>) dst(%arg6 : memref<158x128xi32, #tpu.memory_space<vmem>>)
      tpu.yield
    }) : () -> ()
    %barrier3A = arith.constant 0 : index
    tpu.barrier barrier_id(%barrier3A)
    %scan3A = arith.constant 0 : i32
    %scan3A_1 = arith.constant 0 : i32
    %scan3A_2 = arith.constant 158 : i32
    %scan3A_3 = arith.addi %scan3A_1, %scan3A_2 : i32
    %scan3A_4 = arith.constant 1 : i32
    scf.for %scan3A_7 = %scan3A_1 to %scan3A_3 step %scan3A_4  : i32 {
      "tpu.region"() ({
        %run_scoped3A = tpu.sem_alloc : memref<!tpu.dma_semaphore, #tpu.memory_space<semaphore_mem>>
        %dma_start3A = arith.constant 0 : i32
        %dma_start3A_8 = tpu.memref_slice %arg6[%scan3A_7, %dma_start3A] : memref<158x128xi32, #tpu.memory_space<vmem>> -> memref<1x128xi32, #tpu.memory_space<vmem>>
        %dma_start3A_9 = tpu.memref_squeeze %dma_start3A_8 : memref<1x128xi32, #tpu.memory_space<vmem>> -> memref<128xi32, #tpu.memory_space<vmem>>
        %dma_start3A_10 = arith.constant 0 : i32
        %dma_start3A_11 = arith.constant 0 : i32
        %dma_start3A_12 = tpu.memref_slice %arg8[%dma_start3A_10, %dma_start3A_11] : memref<10112x128xf32, #tpu.memory_space<vmem_shared>> -> memref<10112x128xf32, #tpu.memory_space<vmem_shared>>
        tpu.enqueue_indirect_dma source(%arg7 : memref<128x128xf32, #tpu.memory_space<vmem>>) target(%dma_start3A_12 : memref<10112x128xf32, #tpu.memory_space<vmem_shared>>) offsets(%dma_start3A_9 : memref<128xi32, #tpu.memory_space<vmem>>) semaphore(%run_scoped3A : memref<!tpu.dma_semaphore, #tpu.memory_space<semaphore_mem>>) {add = true}
        %dma_wait3A = arith.constant 0 : i32
        %dma_wait3A_13 = tpu.memref_slice %arg6[%scan3A_7, %dma_wait3A] : memref<158x128xi32, #tpu.memory_space<vmem>> -> memref<1x128xi32, #tpu.memory_space<vmem>>
        %dma_wait3A_14 = tpu.memref_squeeze %dma_wait3A_13 : memref<1x128xi32, #tpu.memory_space<vmem>> -> memref<128xi32, #tpu.memory_space<vmem>>
        %dma_wait3A_15 = arith.constant 0 : i32
        %dma_wait3A_16 = arith.constant 0 : i32
        %dma_wait3A_17 = tpu.memref_slice %arg8[%dma_wait3A_15, %dma_wait3A_16] : memref<10112x128xf32, #tpu.memory_space<vmem_shared>> -> memref<10112x128xf32, #tpu.memory_space<vmem_shared>>
        tpu.wait_indirect_dma semaphore(%run_scoped3A : memref<!tpu.dma_semaphore, #tpu.memory_space<semaphore_mem>>) src(%arg7 : memref<128x128xf32, #tpu.memory_space<vmem>>) dst(%dma_wait3A_17 : memref<10112x128xf32, #tpu.memory_space<vmem_shared>>)
        tpu.yield
      }) : () -> ()
    }
    %scan3A_5 = arith.constant 158 : i32
    %barrier3A_6 = arith.constant 0 : index
    tpu.barrier barrier_id(%barrier3A_6)
    "tpu.region"() ({
      %run_scoped3A = tpu.sem_alloc : memref<!tpu.dma_semaphore, #tpu.memory_space<semaphore_mem>>
      %dma_start3A = arith.constant 0 : i32
      %dma_start3A_7 = tpu.memref_slice %arg5[%arg0, %mul3A_0, %dma_start3A] : memref<2x10112x128xf32, #tpu.memory_space<hbm>> -> memref<1x632x128xf32, #tpu.memory_space<hbm>>
      %dma_start3A_8 = tpu.memref_squeeze %dma_start3A_7 : memref<1x632x128xf32, #tpu.memory_space<hbm>> -> memref<632x128xf32, #tpu.memory_space<hbm>>
      %dma_start3A_9 = arith.constant 0 : i32
      %dma_start3A_10 = tpu.memref_slice %arg8[%mul3A_0, %dma_start3A_9] : memref<10112x128xf32, #tpu.memory_space<vmem_shared>> -> memref<632x128xf32, #tpu.memory_space<vmem_shared>>
      tpu.enqueue_dma source(%dma_start3A_10 : memref<632x128xf32, #tpu.memory_space<vmem_shared>>) target(%dma_start3A_8 : memref<632x128xf32, #tpu.memory_space<hbm>>) target_semaphore(%run_scoped3A : memref<!tpu.dma_semaphore, #tpu.memory_space<semaphore_mem>>)
      %dma_wait3A = arith.constant 0 : i32
      %dma_wait3A_11 = tpu.memref_slice %arg5[%arg0, %mul3A_0, %dma_wait3A] : memref<2x10112x128xf32, #tpu.memory_space<hbm>> -> memref<1x632x128xf32, #tpu.memory_space<hbm>>
      %dma_wait3A_12 = tpu.memref_squeeze %dma_wait3A_11 : memref<1x632x128xf32, #tpu.memory_space<hbm>> -> memref<632x128xf32, #tpu.memory_space<hbm>>
      %dma_wait3A_13 = arith.constant 0 : i32
      %dma_wait3A_14 = tpu.memref_slice %arg8[%mul3A_0, %dma_wait3A_13] : memref<10112x128xf32, #tpu.memory_space<vmem_shared>> -> memref<632x128xf32, #tpu.memory_space<vmem_shared>>
      tpu.wait_dma2 semaphore(%run_scoped3A : memref<!tpu.dma_semaphore, #tpu.memory_space<semaphore_mem>>) src(%dma_wait3A_14 : memref<632x128xf32, #tpu.memory_space<vmem_shared>>) dst(%dma_wait3A_12 : memref<632x128xf32, #tpu.memory_space<hbm>>)
      tpu.yield
    }) : () -> ()
    return
  }
}

#map = affine_map<(d0, d1) -> (0, 0)>
#map1 = affine_map<(d0, d1) -> (0, 0, 0)>
module attributes {stable_mosaic.version = 14 : i64} {
  func.func @_scatter_kernel(%arg0: i32, %arg1: i32, %arg2: memref<10112x128xf32, #tpu.memory_space<hbm>>, %arg3: memref<32x79x128xi32, #tpu.memory_space<hbm>>, %arg4: memref<32x79x128xi32, #tpu.memory_space<hbm>>, %arg5: memref<10112x128xf32, #tpu.memory_space<hbm>>, %arg6: memref<2x10112x128xf32, #tpu.memory_space<hbm>>, %arg7: memref<79x128xi32, #tpu.memory_space<vmem>>, %arg8: memref<79x128xi32, #tpu.memory_space<vmem>>, %arg9: memref<128x128xf32, #tpu.memory_space<vmem>>, %arg10: memref<10112x128xf32, #tpu.memory_space<vmem_shared>>, %arg11: memref<!tpu.dma_semaphore, #tpu.memory_space<semaphore_mem>>) attributes {dimension_semantics = [#tpu.dimension_semantics<core_parallel>, #tpu.dimension_semantics<subcore_parallel>], iteration_bounds = array<i64: 2, 16>, scalar_prefetch = 0 : i64, scratch_operands = 5 : i64, tpu.core_type = #tpu.core_type<sc_vector_subcore>, window_params = [{transform_indices = #map}, {transform_indices = #map1}, {transform_indices = #map1}, {transform_indices = #map}, {transform_indices = #map1}]} {
    %mul3A = arith.constant 2 : i32
    %mul3A_0 = arith.muli %arg1, %mul3A : i32
    %add3A = arith.addi %mul3A_0, %arg0 : i32
    %mul3A_1 = arith.constant 632 : i32
    %mul3A_2 = arith.muli %arg1, %mul3A_1 : i32
    "tpu.region"() ({
      %run_scoped3A = tpu.sem_alloc : memref<!tpu.dma_semaphore, #tpu.memory_space<semaphore_mem>>
      %dma_start3A = arith.constant 0 : i32
      %dma_start3A_9 = tpu.memref_slice %arg10[%mul3A_2, %dma_start3A] : memref<10112x128xf32, #tpu.memory_space<vmem_shared>> -> memref<632x128xf32, #tpu.memory_space<vmem_shared>>
      %dma_start3A_10 = arith.constant 0 : i32
      %dma_start3A_11 = tpu.memref_slice %arg5[%mul3A_2, %dma_start3A_10] : memref<10112x128xf32, #tpu.memory_space<hbm>> -> memref<632x128xf32, #tpu.memory_space<hbm>>
      tpu.enqueue_dma source(%dma_start3A_11 : memref<632x128xf32, #tpu.memory_space<hbm>>) target(%dma_start3A_9 : memref<632x128xf32, #tpu.memory_space<vmem_shared>>) target_semaphore(%run_scoped3A : memref<!tpu.dma_semaphore, #tpu.memory_space<semaphore_mem>>)
      %dma_wait3A = arith.constant 0 : i32
      %dma_wait3A_12 = tpu.memref_slice %arg10[%mul3A_2, %dma_wait3A] : memref<10112x128xf32, #tpu.memory_space<vmem_shared>> -> memref<632x128xf32, #tpu.memory_space<vmem_shared>>
      %dma_wait3A_13 = arith.constant 0 : i32
      %dma_wait3A_14 = tpu.memref_slice %arg5[%mul3A_2, %dma_wait3A_13] : memref<10112x128xf32, #tpu.memory_space<hbm>> -> memref<632x128xf32, #tpu.memory_space<hbm>>
      tpu.wait_dma2 semaphore(%run_scoped3A : memref<!tpu.dma_semaphore, #tpu.memory_space<semaphore_mem>>) src(%dma_wait3A_14 : memref<632x128xf32, #tpu.memory_space<hbm>>) dst(%dma_wait3A_12 : memref<632x128xf32, #tpu.memory_space<vmem_shared>>)
      tpu.yield
    }) : () -> ()
    "tpu.region"() ({
      %run_scoped3A = tpu.sem_alloc : memref<!tpu.dma_semaphore, #tpu.memory_space<semaphore_mem>>
      %dma_start3A = arith.constant 0 : i32
      %dma_start3A_9 = arith.constant 0 : i32
      %dma_start3A_10 = tpu.memref_slice %arg3[%add3A, %dma_start3A, %dma_start3A_9] : memref<32x79x128xi32, #tpu.memory_space<hbm>> -> memref<1x79x128xi32, #tpu.memory_space<hbm>>
      %dma_start3A_11 = tpu.memref_squeeze %dma_start3A_10 : memref<1x79x128xi32, #tpu.memory_space<hbm>> -> memref<79x128xi32, #tpu.memory_space<hbm>>
      %dma_start3A_12 = arith.constant 0 : i32
      %dma_start3A_13 = arith.constant 0 : i32
      %dma_start3A_14 = tpu.memref_slice %arg3[%add3A, %dma_start3A_12, %dma_start3A_13] : memref<32x79x128xi32, #tpu.memory_space<hbm>> -> memref<1x79x128xi32, #tpu.memory_space<hbm>>
      %dma_start3A_15 = tpu.memref_squeeze %dma_start3A_14 : memref<1x79x128xi32, #tpu.memory_space<hbm>> -> memref<79x128xi32, #tpu.memory_space<hbm>>
      tpu.enqueue_dma source(%dma_start3A_15 : memref<79x128xi32, #tpu.memory_space<hbm>>) target(%arg7 : memref<79x128xi32, #tpu.memory_space<vmem>>) target_semaphore(%run_scoped3A : memref<!tpu.dma_semaphore, #tpu.memory_space<semaphore_mem>>)
      %dma_wait3A = arith.constant 0 : i32
      %dma_wait3A_16 = arith.constant 0 : i32
      %dma_wait3A_17 = tpu.memref_slice %arg3[%add3A, %dma_wait3A, %dma_wait3A_16] : memref<32x79x128xi32, #tpu.memory_space<hbm>> -> memref<1x79x128xi32, #tpu.memory_space<hbm>>
      %dma_wait3A_18 = tpu.memref_squeeze %dma_wait3A_17 : memref<1x79x128xi32, #tpu.memory_space<hbm>> -> memref<79x128xi32, #tpu.memory_space<hbm>>
      %dma_wait3A_19 = arith.constant 0 : i32
      %dma_wait3A_20 = arith.constant 0 : i32
      %dma_wait3A_21 = tpu.memref_slice %arg3[%add3A, %dma_wait3A_19, %dma_wait3A_20] : memref<32x79x128xi32, #tpu.memory_space<hbm>> -> memref<1x79x128xi32, #tpu.memory_space<hbm>>
      %dma_wait3A_22 = tpu.memref_squeeze %dma_wait3A_21 : memref<1x79x128xi32, #tpu.memory_space<hbm>> -> memref<79x128xi32, #tpu.memory_space<hbm>>
      tpu.wait_dma2 semaphore(%run_scoped3A : memref<!tpu.dma_semaphore, #tpu.memory_space<semaphore_mem>>) src(%dma_wait3A_22 : memref<79x128xi32, #tpu.memory_space<hbm>>) dst(%arg7 : memref<79x128xi32, #tpu.memory_space<vmem>>)
      tpu.yield
    }) : () -> ()
    "tpu.region"() ({
      %run_scoped3A = tpu.sem_alloc : memref<!tpu.dma_semaphore, #tpu.memory_space<semaphore_mem>>
      %dma_start3A = arith.constant 0 : i32
      %dma_start3A_9 = arith.constant 0 : i32
      %dma_start3A_10 = tpu.memref_slice %arg4[%add3A, %dma_start3A, %dma_start3A_9] : memref<32x79x128xi32, #tpu.memory_space<hbm>> -> memref<1x79x128xi32, #tpu.memory_space<hbm>>
      %dma_start3A_11 = tpu.memref_squeeze %dma_start3A_10 : memref<1x79x128xi32, #tpu.memory_space<hbm>> -> memref<79x128xi32, #tpu.memory_space<hbm>>
      %dma_start3A_12 = arith.constant 0 : i32
      %dma_start3A_13 = arith.constant 0 : i32
      %dma_start3A_14 = tpu.memref_slice %arg4[%add3A, %dma_start3A_12, %dma_start3A_13] : memref<32x79x128xi32, #tpu.memory_space<hbm>> -> memref<1x79x128xi32, #tpu.memory_space<hbm>>
      %dma_start3A_15 = tpu.memref_squeeze %dma_start3A_14 : memref<1x79x128xi32, #tpu.memory_space<hbm>> -> memref<79x128xi32, #tpu.memory_space<hbm>>
      tpu.enqueue_dma source(%dma_start3A_15 : memref<79x128xi32, #tpu.memory_space<hbm>>) target(%arg8 : memref<79x128xi32, #tpu.memory_space<vmem>>) target_semaphore(%run_scoped3A : memref<!tpu.dma_semaphore, #tpu.memory_space<semaphore_mem>>)
      %dma_wait3A = arith.constant 0 : i32
      %dma_wait3A_16 = arith.constant 0 : i32
      %dma_wait3A_17 = tpu.memref_slice %arg4[%add3A, %dma_wait3A, %dma_wait3A_16] : memref<32x79x128xi32, #tpu.memory_space<hbm>> -> memref<1x79x128xi32, #tpu.memory_space<hbm>>
      %dma_wait3A_18 = tpu.memref_squeeze %dma_wait3A_17 : memref<1x79x128xi32, #tpu.memory_space<hbm>> -> memref<79x128xi32, #tpu.memory_space<hbm>>
      %dma_wait3A_19 = arith.constant 0 : i32
      %dma_wait3A_20 = arith.constant 0 : i32
      %dma_wait3A_21 = tpu.memref_slice %arg4[%add3A, %dma_wait3A_19, %dma_wait3A_20] : memref<32x79x128xi32, #tpu.memory_space<hbm>> -> memref<1x79x128xi32, #tpu.memory_space<hbm>>
      %dma_wait3A_22 = tpu.memref_squeeze %dma_wait3A_21 : memref<1x79x128xi32, #tpu.memory_space<hbm>> -> memref<79x128xi32, #tpu.memory_space<hbm>>
      tpu.wait_dma2 semaphore(%run_scoped3A : memref<!tpu.dma_semaphore, #tpu.memory_space<semaphore_mem>>) src(%dma_wait3A_22 : memref<79x128xi32, #tpu.memory_space<hbm>>) dst(%arg8 : memref<79x128xi32, #tpu.memory_space<vmem>>)
      tpu.yield
    }) : () -> ()
    %barrier3A = arith.constant 0 : index
    tpu.barrier barrier_id(%barrier3A)
    %scan3A = arith.constant 0 : i32
    %scan3A_3 = arith.constant 0 : i32
    %scan3A_4 = arith.constant 79 : i32
    %scan3A_5 = arith.addi %scan3A_3, %scan3A_4 : i32
    %scan3A_6 = arith.constant 1 : i32
    scf.for %scan3A_9 = %scan3A_3 to %scan3A_5 step %scan3A_6  : i32 {
      %dma_start3A = arith.constant 0 : i32
      %dma_start3A_10 = tpu.memref_slice %arg7[%scan3A_9, %dma_start3A] : memref<79x128xi32, #tpu.memory_space<vmem>> -> memref<1x128xi32, #tpu.memory_space<vmem>>
      %dma_start3A_11 = tpu.memref_squeeze %dma_start3A_10 : memref<1x128xi32, #tpu.memory_space<vmem>> -> memref<128xi32, #tpu.memory_space<vmem>>
      %dma_start3A_12 = arith.constant 0 : i32
      %dma_start3A_13 = arith.constant 0 : i32
      %dma_start3A_14 = tpu.memref_slice %arg2[%dma_start3A_12, %dma_start3A_13] : memref<10112x128xf32, #tpu.memory_space<hbm>> -> memref<10112x128xf32, #tpu.memory_space<hbm>>
      tpu.enqueue_indirect_dma source(%dma_start3A_14 : memref<10112x128xf32, #tpu.memory_space<hbm>>) target(%arg9 : memref<128x128xf32, #tpu.memory_space<vmem>>) offsets(%dma_start3A_11 : memref<128xi32, #tpu.memory_space<vmem>>) semaphore(%arg11 : memref<!tpu.dma_semaphore, #tpu.memory_space<semaphore_mem>>)
      %dma_wait3A = arith.constant 0 : i32
      %dma_wait3A_15 = tpu.memref_slice %arg7[%scan3A_9, %dma_wait3A] : memref<79x128xi32, #tpu.memory_space<vmem>> -> memref<1x128xi32, #tpu.memory_space<vmem>>
      %dma_wait3A_16 = tpu.memref_squeeze %dma_wait3A_15 : memref<1x128xi32, #tpu.memory_space<vmem>> -> memref<128xi32, #tpu.memory_space<vmem>>
      %dma_wait3A_17 = arith.constant 0 : i32
      %dma_wait3A_18 = arith.constant 0 : i32
      %dma_wait3A_19 = tpu.memref_slice %arg2[%dma_wait3A_17, %dma_wait3A_18] : memref<10112x128xf32, #tpu.memory_space<hbm>> -> memref<10112x128xf32, #tpu.memory_space<hbm>>
      tpu.wait_indirect_dma semaphore(%arg11 : memref<!tpu.dma_semaphore, #tpu.memory_space<semaphore_mem>>) src(%dma_wait3A_19 : memref<10112x128xf32, #tpu.memory_space<hbm>>) dst(%arg9 : memref<128x128xf32, #tpu.memory_space<vmem>>)
      "tpu.region"() ({
        %run_scoped3A = tpu.sem_alloc : memref<!tpu.dma_semaphore, #tpu.memory_space<semaphore_mem>>
        %dma_start3A_20 = arith.constant 0 : i32
        %dma_start3A_21 = tpu.memref_slice %arg8[%scan3A_9, %dma_start3A_20] : memref<79x128xi32, #tpu.memory_space<vmem>> -> memref<1x128xi32, #tpu.memory_space<vmem>>
        %dma_start3A_22 = tpu.memref_squeeze %dma_start3A_21 : memref<1x128xi32, #tpu.memory_space<vmem>> -> memref<128xi32, #tpu.memory_space<vmem>>
        %dma_start3A_23 = arith.constant 0 : i32
        %dma_start3A_24 = arith.constant 0 : i32
        %dma_start3A_25 = tpu.memref_slice %arg10[%dma_start3A_23, %dma_start3A_24] : memref<10112x128xf32, #tpu.memory_space<vmem_shared>> -> memref<10112x128xf32, #tpu.memory_space<vmem_shared>>
        tpu.enqueue_indirect_dma source(%arg9 : memref<128x128xf32, #tpu.memory_space<vmem>>) target(%dma_start3A_25 : memref<10112x128xf32, #tpu.memory_space<vmem_shared>>) offsets(%dma_start3A_22 : memref<128xi32, #tpu.memory_space<vmem>>) semaphore(%run_scoped3A : memref<!tpu.dma_semaphore, #tpu.memory_space<semaphore_mem>>) {add = true}
        %dma_wait3A_26 = arith.constant 0 : i32
        %dma_wait3A_27 = tpu.memref_slice %arg8[%scan3A_9, %dma_wait3A_26] : memref<79x128xi32, #tpu.memory_space<vmem>> -> memref<1x128xi32, #tpu.memory_space<vmem>>
        %dma_wait3A_28 = tpu.memref_squeeze %dma_wait3A_27 : memref<1x128xi32, #tpu.memory_space<vmem>> -> memref<128xi32, #tpu.memory_space<vmem>>
        %dma_wait3A_29 = arith.constant 0 : i32
        %dma_wait3A_30 = arith.constant 0 : i32
        %dma_wait3A_31 = tpu.memref_slice %arg10[%dma_wait3A_29, %dma_wait3A_30] : memref<10112x128xf32, #tpu.memory_space<vmem_shared>> -> memref<10112x128xf32, #tpu.memory_space<vmem_shared>>
        tpu.wait_indirect_dma semaphore(%run_scoped3A : memref<!tpu.dma_semaphore, #tpu.memory_space<semaphore_mem>>) src(%arg9 : memref<128x128xf32, #tpu.memory_space<vmem>>) dst(%dma_wait3A_31 : memref<10112x128xf32, #tpu.memory_space<vmem_shared>>)
        tpu.yield
      }) : () -> ()
    }
    %scan3A_7 = arith.constant 79 : i32
    %barrier3A_8 = arith.constant 0 : index
    tpu.barrier barrier_id(%barrier3A_8)
    "tpu.region"() ({
      %run_scoped3A = tpu.sem_alloc : memref<!tpu.dma_semaphore, #tpu.memory_space<semaphore_mem>>
      %dma_start3A = arith.constant 0 : i32
      %dma_start3A_9 = tpu.memref_slice %arg6[%arg0, %mul3A_2, %dma_start3A] : memref<2x10112x128xf32, #tpu.memory_space<hbm>> -> memref<1x632x128xf32, #tpu.memory_space<hbm>>
      %dma_start3A_10 = tpu.memref_squeeze %dma_start3A_9 : memref<1x632x128xf32, #tpu.memory_space<hbm>> -> memref<632x128xf32, #tpu.memory_space<hbm>>
      %dma_start3A_11 = arith.constant 0 : i32
      %dma_start3A_12 = tpu.memref_slice %arg10[%mul3A_2, %dma_start3A_11] : memref<10112x128xf32, #tpu.memory_space<vmem_shared>> -> memref<632x128xf32, #tpu.memory_space<vmem_shared>>
      tpu.enqueue_dma source(%dma_start3A_12 : memref<632x128xf32, #tpu.memory_space<vmem_shared>>) target(%dma_start3A_10 : memref<632x128xf32, #tpu.memory_space<hbm>>) target_semaphore(%run_scoped3A : memref<!tpu.dma_semaphore, #tpu.memory_space<semaphore_mem>>)
      %dma_wait3A = arith.constant 0 : i32
      %dma_wait3A_13 = tpu.memref_slice %arg6[%arg0, %mul3A_2, %dma_wait3A] : memref<2x10112x128xf32, #tpu.memory_space<hbm>> -> memref<1x632x128xf32, #tpu.memory_space<hbm>>
      %dma_wait3A_14 = tpu.memref_squeeze %dma_wait3A_13 : memref<1x632x128xf32, #tpu.memory_space<hbm>> -> memref<632x128xf32, #tpu.memory_space<hbm>>
      %dma_wait3A_15 = arith.constant 0 : i32
      %dma_wait3A_16 = tpu.memref_slice %arg10[%mul3A_2, %dma_wait3A_15] : memref<10112x128xf32, #tpu.memory_space<vmem_shared>> -> memref<632x128xf32, #tpu.memory_space<vmem_shared>>
      tpu.wait_dma2 semaphore(%run_scoped3A : memref<!tpu.dma_semaphore, #tpu.memory_space<semaphore_mem>>) src(%dma_wait3A_16 : memref<632x128xf32, #tpu.memory_space<vmem_shared>>) dst(%dma_wait3A_14 : memref<632x128xf32, #tpu.memory_space<hbm>>)
      tpu.yield
    }) : () -> ()
    return
  }
}

#map = affine_map<(d0, d1) -> (0, 0)>
#map1 = affine_map<(d0, d1) -> (0, 0, 0)>
module attributes {stable_mosaic.version = 14 : i64} {
  func.func @_scatter_kernel(%arg0: i32, %arg1: i32, %arg2: memref<10112x128xf32, #tpu.memory_space<hbm>>, %arg3: memref<32x79x128xi32, #tpu.memory_space<hbm>>, %arg4: memref<32x79x128xi32, #tpu.memory_space<hbm>>, %arg5: memref<10112x128xf32, #tpu.memory_space<hbm>>, %arg6: memref<2x10112x128xf32, #tpu.memory_space<hbm>>, %arg7: memref<79x128xi32, #tpu.memory_space<vmem>>, %arg8: memref<79x128xi32, #tpu.memory_space<vmem>>, %arg9: memref<128x128xf32, #tpu.memory_space<vmem>>, %arg10: memref<10112x128xf32, #tpu.memory_space<vmem_shared>>, %arg11: memref<!tpu.dma_semaphore, #tpu.memory_space<semaphore_mem>>) attributes {dimension_semantics = [#tpu.dimension_semantics<core_parallel>, #tpu.dimension_semantics<subcore_parallel>], iteration_bounds = array<i64: 2, 16>, scalar_prefetch = 0 : i64, scratch_operands = 5 : i64, tpu.core_type = #tpu.core_type<sc_vector_subcore>, window_params = [{transform_indices = #map}, {transform_indices = #map1}, {transform_indices = #map1}, {transform_indices = #map}, {transform_indices = #map1}]} {
    %mul3A = arith.constant 2 : i32
    %mul3A_0 = arith.muli %arg1, %mul3A : i32
    %add3A = arith.addi %mul3A_0, %arg0 : i32
    %mul3A_1 = arith.constant 632 : i32
    %mul3A_2 = arith.muli %arg1, %mul3A_1 : i32
    "tpu.region"() ({
      %run_scoped3A = tpu.sem_alloc : memref<!tpu.dma_semaphore, #tpu.memory_space<semaphore_mem>>
      %dma_start3A = arith.constant 0 : i32
      %dma_start3A_9 = tpu.memref_slice %arg10[%mul3A_2, %dma_start3A] : memref<10112x128xf32, #tpu.memory_space<vmem_shared>> -> memref<632x128xf32, #tpu.memory_space<vmem_shared>>
      %dma_start3A_10 = arith.constant 0 : i32
      %dma_start3A_11 = tpu.memref_slice %arg5[%mul3A_2, %dma_start3A_10] : memref<10112x128xf32, #tpu.memory_space<hbm>> -> memref<632x128xf32, #tpu.memory_space<hbm>>
      tpu.enqueue_dma source(%dma_start3A_11 : memref<632x128xf32, #tpu.memory_space<hbm>>) target(%dma_start3A_9 : memref<632x128xf32, #tpu.memory_space<vmem_shared>>) target_semaphore(%run_scoped3A : memref<!tpu.dma_semaphore, #tpu.memory_space<semaphore_mem>>)
      %dma_wait3A = arith.constant 0 : i32
      %dma_wait3A_12 = tpu.memref_slice %arg10[%mul3A_2, %dma_wait3A] : memref<10112x128xf32, #tpu.memory_space<vmem_shared>> -> memref<632x128xf32, #tpu.memory_space<vmem_shared>>
      %dma_wait3A_13 = arith.constant 0 : i32
      %dma_wait3A_14 = tpu.memref_slice %arg5[%mul3A_2, %dma_wait3A_13] : memref<10112x128xf32, #tpu.memory_space<hbm>> -> memref<632x128xf32, #tpu.memory_space<hbm>>
      tpu.wait_dma2 semaphore(%run_scoped3A : memref<!tpu.dma_semaphore, #tpu.memory_space<semaphore_mem>>) src(%dma_wait3A_14 : memref<632x128xf32, #tpu.memory_space<hbm>>) dst(%dma_wait3A_12 : memref<632x128xf32, #tpu.memory_space<vmem_shared>>)
      tpu.yield
    }) : () -> ()
    "tpu.region"() ({
      %run_scoped3A = tpu.sem_alloc : memref<!tpu.dma_semaphore, #tpu.memory_space<semaphore_mem>>
      %dma_start3A = arith.constant 0 : i32
      %dma_start3A_9 = arith.constant 0 : i32
      %dma_start3A_10 = tpu.memref_slice %arg3[%add3A, %dma_start3A, %dma_start3A_9] : memref<32x79x128xi32, #tpu.memory_space<hbm>> -> memref<1x79x128xi32, #tpu.memory_space<hbm>>
      %dma_start3A_11 = tpu.memref_squeeze %dma_start3A_10 : memref<1x79x128xi32, #tpu.memory_space<hbm>> -> memref<79x128xi32, #tpu.memory_space<hbm>>
      %dma_start3A_12 = arith.constant 0 : i32
      %dma_start3A_13 = arith.constant 0 : i32
      %dma_start3A_14 = tpu.memref_slice %arg3[%add3A, %dma_start3A_12, %dma_start3A_13] : memref<32x79x128xi32, #tpu.memory_space<hbm>> -> memref<1x79x128xi32, #tpu.memory_space<hbm>>
      %dma_start3A_15 = tpu.memref_squeeze %dma_start3A_14 : memref<1x79x128xi32, #tpu.memory_space<hbm>> -> memref<79x128xi32, #tpu.memory_space<hbm>>
      tpu.enqueue_dma source(%dma_start3A_15 : memref<79x128xi32, #tpu.memory_space<hbm>>) target(%arg7 : memref<79x128xi32, #tpu.memory_space<vmem>>) target_semaphore(%run_scoped3A : memref<!tpu.dma_semaphore, #tpu.memory_space<semaphore_mem>>)
      %dma_wait3A = arith.constant 0 : i32
      %dma_wait3A_16 = arith.constant 0 : i32
      %dma_wait3A_17 = tpu.memref_slice %arg3[%add3A, %dma_wait3A, %dma_wait3A_16] : memref<32x79x128xi32, #tpu.memory_space<hbm>> -> memref<1x79x128xi32, #tpu.memory_space<hbm>>
      %dma_wait3A_18 = tpu.memref_squeeze %dma_wait3A_17 : memref<1x79x128xi32, #tpu.memory_space<hbm>> -> memref<79x128xi32, #tpu.memory_space<hbm>>
      %dma_wait3A_19 = arith.constant 0 : i32
      %dma_wait3A_20 = arith.constant 0 : i32
      %dma_wait3A_21 = tpu.memref_slice %arg3[%add3A, %dma_wait3A_19, %dma_wait3A_20] : memref<32x79x128xi32, #tpu.memory_space<hbm>> -> memref<1x79x128xi32, #tpu.memory_space<hbm>>
      %dma_wait3A_22 = tpu.memref_squeeze %dma_wait3A_21 : memref<1x79x128xi32, #tpu.memory_space<hbm>> -> memref<79x128xi32, #tpu.memory_space<hbm>>
      tpu.wait_dma2 semaphore(%run_scoped3A : memref<!tpu.dma_semaphore, #tpu.memory_space<semaphore_mem>>) src(%dma_wait3A_22 : memref<79x128xi32, #tpu.memory_space<hbm>>) dst(%arg7 : memref<79x128xi32, #tpu.memory_space<vmem>>)
      tpu.yield
    }) : () -> ()
    "tpu.region"() ({
      %run_scoped3A = tpu.sem_alloc : memref<!tpu.dma_semaphore, #tpu.memory_space<semaphore_mem>>
      %dma_start3A = arith.constant 0 : i32
      %dma_start3A_9 = arith.constant 0 : i32
      %dma_start3A_10 = tpu.memref_slice %arg4[%add3A, %dma_start3A, %dma_start3A_9] : memref<32x79x128xi32, #tpu.memory_space<hbm>> -> memref<1x79x128xi32, #tpu.memory_space<hbm>>
      %dma_start3A_11 = tpu.memref_squeeze %dma_start3A_10 : memref<1x79x128xi32, #tpu.memory_space<hbm>> -> memref<79x128xi32, #tpu.memory_space<hbm>>
      %dma_start3A_12 = arith.constant 0 : i32
      %dma_start3A_13 = arith.constant 0 : i32
      %dma_start3A_14 = tpu.memref_slice %arg4[%add3A, %dma_start3A_12, %dma_start3A_13] : memref<32x79x128xi32, #tpu.memory_space<hbm>> -> memref<1x79x128xi32, #tpu.memory_space<hbm>>
      %dma_start3A_15 = tpu.memref_squeeze %dma_start3A_14 : memref<1x79x128xi32, #tpu.memory_space<hbm>> -> memref<79x128xi32, #tpu.memory_space<hbm>>
      tpu.enqueue_dma source(%dma_start3A_15 : memref<79x128xi32, #tpu.memory_space<hbm>>) target(%arg8 : memref<79x128xi32, #tpu.memory_space<vmem>>) target_semaphore(%run_scoped3A : memref<!tpu.dma_semaphore, #tpu.memory_space<semaphore_mem>>)
      %dma_wait3A = arith.constant 0 : i32
      %dma_wait3A_16 = arith.constant 0 : i32
      %dma_wait3A_17 = tpu.memref_slice %arg4[%add3A, %dma_wait3A, %dma_wait3A_16] : memref<32x79x128xi32, #tpu.memory_space<hbm>> -> memref<1x79x128xi32, #tpu.memory_space<hbm>>
      %dma_wait3A_18 = tpu.memref_squeeze %dma_wait3A_17 : memref<1x79x128xi32, #tpu.memory_space<hbm>> -> memref<79x128xi32, #tpu.memory_space<hbm>>
      %dma_wait3A_19 = arith.constant 0 : i32
      %dma_wait3A_20 = arith.constant 0 : i32
      %dma_wait3A_21 = tpu.memref_slice %arg4[%add3A, %dma_wait3A_19, %dma_wait3A_20] : memref<32x79x128xi32, #tpu.memory_space<hbm>> -> memref<1x79x128xi32, #tpu.memory_space<hbm>>
      %dma_wait3A_22 = tpu.memref_squeeze %dma_wait3A_21 : memref<1x79x128xi32, #tpu.memory_space<hbm>> -> memref<79x128xi32, #tpu.memory_space<hbm>>
      tpu.wait_dma2 semaphore(%run_scoped3A : memref<!tpu.dma_semaphore, #tpu.memory_space<semaphore_mem>>) src(%dma_wait3A_22 : memref<79x128xi32, #tpu.memory_space<hbm>>) dst(%arg8 : memref<79x128xi32, #tpu.memory_space<vmem>>)
      tpu.yield
    }) : () -> ()
    %barrier3A = arith.constant 0 : index
    tpu.barrier barrier_id(%barrier3A)
    %scan3A = arith.constant 0 : i32
    %scan3A_3 = arith.constant 0 : i32
    %scan3A_4 = arith.constant 79 : i32
    %scan3A_5 = arith.addi %scan3A_3, %scan3A_4 : i32
    %scan3A_6 = arith.constant 1 : i32
    scf.for %scan3A_9 = %scan3A_3 to %scan3A_5 step %scan3A_6  : i32 {
      %dma_start3A = arith.constant 0 : i32
      %dma_start3A_10 = tpu.memref_slice %arg7[%scan3A_9, %dma_start3A] : memref<79x128xi32, #tpu.memory_space<vmem>> -> memref<1x128xi32, #tpu.memory_space<vmem>>
      %dma_start3A_11 = tpu.memref_squeeze %dma_start3A_10 : memref<1x128xi32, #tpu.memory_space<vmem>> -> memref<128xi32, #tpu.memory_space<vmem>>
      %dma_start3A_12 = arith.constant 0 : i32
      %dma_start3A_13 = arith.constant 0 : i32
      %dma_start3A_14 = tpu.memref_slice %arg2[%dma_start3A_12, %dma_start3A_13] : memref<10112x128xf32, #tpu.memory_space<hbm>> -> memref<10112x128xf32, #tpu.memory_space<hbm>>
      tpu.enqueue_indirect_dma source(%dma_start3A_14 : memref<10112x128xf32, #tpu.memory_space<hbm>>) target(%arg9 : memref<128x128xf32, #tpu.memory_space<vmem>>) offsets(%dma_start3A_11 : memref<128xi32, #tpu.memory_space<vmem>>) semaphore(%arg11 : memref<!tpu.dma_semaphore, #tpu.memory_space<semaphore_mem>>)
      %dma_wait3A = arith.constant 0 : i32
      %dma_wait3A_15 = tpu.memref_slice %arg7[%scan3A_9, %dma_wait3A] : memref<79x128xi32, #tpu.memory_space<vmem>> -> memref<1x128xi32, #tpu.memory_space<vmem>>
      %dma_wait3A_16 = tpu.memref_squeeze %dma_wait3A_15 : memref<1x128xi32, #tpu.memory_space<vmem>> -> memref<128xi32, #tpu.memory_space<vmem>>
      %dma_wait3A_17 = arith.constant 0 : i32
      %dma_wait3A_18 = arith.constant 0 : i32
      %dma_wait3A_19 = tpu.memref_slice %arg2[%dma_wait3A_17, %dma_wait3A_18] : memref<10112x128xf32, #tpu.memory_space<hbm>> -> memref<10112x128xf32, #tpu.memory_space<hbm>>
      tpu.wait_indirect_dma semaphore(%arg11 : memref<!tpu.dma_semaphore, #tpu.memory_space<semaphore_mem>>) src(%dma_wait3A_19 : memref<10112x128xf32, #tpu.memory_space<hbm>>) dst(%arg9 : memref<128x128xf32, #tpu.memory_space<vmem>>)
      "tpu.region"() ({
        %run_scoped3A = tpu.sem_alloc : memref<!tpu.dma_semaphore, #tpu.memory_space<semaphore_mem>>
        %dma_start3A_20 = arith.constant 0 : i32
        %dma_start3A_21 = tpu.memref_slice %arg8[%scan3A_9, %dma_start3A_20] : memref<79x128xi32, #tpu.memory_space<vmem>> -> memref<1x128xi32, #tpu.memory_space<vmem>>
        %dma_start3A_22 = tpu.memref_squeeze %dma_start3A_21 : memref<1x128xi32, #tpu.memory_space<vmem>> -> memref<128xi32, #tpu.memory_space<vmem>>
        %dma_start3A_23 = arith.constant 0 : i32
        %dma_start3A_24 = arith.constant 0 : i32
        %dma_start3A_25 = tpu.memref_slice %arg10[%dma_start3A_23, %dma_start3A_24] : memref<10112x128xf32, #tpu.memory_space<vmem_shared>> -> memref<10112x128xf32, #tpu.memory_space<vmem_shared>>
        tpu.enqueue_indirect_dma source(%arg9 : memref<128x128xf32, #tpu.memory_space<vmem>>) target(%dma_start3A_25 : memref<10112x128xf32, #tpu.memory_space<vmem_shared>>) offsets(%dma_start3A_22 : memref<128xi32, #tpu.memory_space<vmem>>) semaphore(%run_scoped3A : memref<!tpu.dma_semaphore, #tpu.memory_space<semaphore_mem>>) {add = true}
        %dma_wait3A_26 = arith.constant 0 : i32
        %dma_wait3A_27 = tpu.memref_slice %arg8[%scan3A_9, %dma_wait3A_26] : memref<79x128xi32, #tpu.memory_space<vmem>> -> memref<1x128xi32, #tpu.memory_space<vmem>>
        %dma_wait3A_28 = tpu.memref_squeeze %dma_wait3A_27 : memref<1x128xi32, #tpu.memory_space<vmem>> -> memref<128xi32, #tpu.memory_space<vmem>>
        %dma_wait3A_29 = arith.constant 0 : i32
        %dma_wait3A_30 = arith.constant 0 : i32
        %dma_wait3A_31 = tpu.memref_slice %arg10[%dma_wait3A_29, %dma_wait3A_30] : memref<10112x128xf32, #tpu.memory_space<vmem_shared>> -> memref<10112x128xf32, #tpu.memory_space<vmem_shared>>
        tpu.wait_indirect_dma semaphore(%run_scoped3A : memref<!tpu.dma_semaphore, #tpu.memory_space<semaphore_mem>>) src(%arg9 : memref<128x128xf32, #tpu.memory_space<vmem>>) dst(%dma_wait3A_31 : memref<10112x128xf32, #tpu.memory_space<vmem_shared>>)
        tpu.yield
      }) : () -> ()
    }
    %scan3A_7 = arith.constant 79 : i32
    %barrier3A_8 = arith.constant 0 : index
    tpu.barrier barrier_id(%barrier3A_8)
    "tpu.region"() ({
      %run_scoped3A = tpu.sem_alloc : memref<!tpu.dma_semaphore, #tpu.memory_space<semaphore_mem>>
      %dma_start3A = arith.constant 0 : i32
      %dma_start3A_9 = tpu.memref_slice %arg6[%arg0, %mul3A_2, %dma_start3A] : memref<2x10112x128xf32, #tpu.memory_space<hbm>> -> memref<1x632x128xf32, #tpu.memory_space<hbm>>
      %dma_start3A_10 = tpu.memref_squeeze %dma_start3A_9 : memref<1x632x128xf32, #tpu.memory_space<hbm>> -> memref<632x128xf32, #tpu.memory_space<hbm>>
      %dma_start3A_11 = arith.constant 0 : i32
      %dma_start3A_12 = tpu.memref_slice %arg10[%mul3A_2, %dma_start3A_11] : memref<10112x128xf32, #tpu.memory_space<vmem_shared>> -> memref<632x128xf32, #tpu.memory_space<vmem_shared>>
      tpu.enqueue_dma source(%dma_start3A_12 : memref<632x128xf32, #tpu.memory_space<vmem_shared>>) target(%dma_start3A_10 : memref<632x128xf32, #tpu.memory_space<hbm>>) target_semaphore(%run_scoped3A : memref<!tpu.dma_semaphore, #tpu.memory_space<semaphore_mem>>)
      %dma_wait3A = arith.constant 0 : i32
      %dma_wait3A_13 = tpu.memref_slice %arg6[%arg0, %mul3A_2, %dma_wait3A] : memref<2x10112x128xf32, #tpu.memory_space<hbm>> -> memref<1x632x128xf32, #tpu.memory_space<hbm>>
      %dma_wait3A_14 = tpu.memref_squeeze %dma_wait3A_13 : memref<1x632x128xf32, #tpu.memory_space<hbm>> -> memref<632x128xf32, #tpu.memory_space<hbm>>
      %dma_wait3A_15 = arith.constant 0 : i32
      %dma_wait3A_16 = tpu.memref_slice %arg10[%mul3A_2, %dma_wait3A_15] : memref<10112x128xf32, #tpu.memory_space<vmem_shared>> -> memref<632x128xf32, #tpu.memory_space<vmem_shared>>
      tpu.wait_dma2 semaphore(%run_scoped3A : memref<!tpu.dma_semaphore, #tpu.memory_space<semaphore_mem>>) src(%dma_wait3A_16 : memref<632x128xf32, #tpu.memory_space<vmem_shared>>) dst(%dma_wait3A_14 : memref<632x128xf32, #tpu.memory_space<hbm>>)
      tpu.yield
    }) : () -> ()
    return
  }
}

module attributes {stable_mosaic.version = 14 : i64} {
  func.func @_tc_prep_body(%arg0: memref<10112x128xf32, #tpu.memory_space<vmem>>, %arg1: memref<128x64xf32, #tpu.memory_space<vmem>>, %arg2: memref<10112x128xf32, #tpu.memory_space<vmem>>, %arg3: memref<10112x128xf32, #tpu.memory_space<vmem>>, %arg4: memref<10112x128xf32, #tpu.memory_space<vmem>>, %arg5: memref<10112x1xf32, #tpu.memory_space<vmem>>, %arg6: memref<10112x1xf32, #tpu.memory_space<vmem>>) attributes {dimension_semantics = [], scalar_prefetch = 0 : i64, scratch_operands = 0 : i64, tpu.core_type = #tpu.core_type<tc>} {
    %get3A = arith.constant 0 : index
    %get3A_0 = arith.constant 0 : index
    %get3A_1 = vector.load %arg2[%get3A, %get3A_0] : memref<10112x128xf32, #tpu.memory_space<vmem>>, vector<10112x1xf32>
    %max3A = arith.constant 1.000000e+00 : f32
    %max3A_2 = vector.broadcast %max3A : f32 to vector<10112x1xf32>
    %max3A_3 = arith.maximumf %get3A_1, %max3A_2 : vector<10112x1xf32>
    %get3A_4 = arith.constant 0 : index
    %get3A_5 = arith.constant 0 : index
    %get3A_6 = vector.load %arg3[%get3A_4, %get3A_5] : memref<10112x128xf32, #tpu.memory_space<vmem>>, vector<10112x1xf32>
    %max3A_7 = arith.constant 1.000000e+00 : f32
    %max3A_8 = vector.broadcast %max3A_7 : f32 to vector<10112x1xf32>
    %max3A_9 = arith.maximumf %get3A_6, %max3A_8 : vector<10112x1xf32>
    %rsqrt3A = math.rsqrt %max3A_3 : vector<10112x1xf32>
    %rsqrt3A_10 = math.rsqrt %max3A_9 : vector<10112x1xf32>
    %swap3A = arith.constant 0 : index
    %swap3A_11 = arith.constant 0 : index
    %swap3A_12 = vector.load %arg5[%swap3A, %swap3A_11] : memref<10112x1xf32, #tpu.memory_space<vmem>>, vector<10112x1xf32>
    tpu.vector_store %arg5[%swap3A, %swap3A_11], %rsqrt3A {strides = array<i32>} : memref<10112x1xf32, #tpu.memory_space<vmem>>, vector<10112x1xf32>,
    %swap3A_13 = arith.constant 0 : index
    %swap3A_14 = arith.constant 0 : index
    %swap3A_15 = vector.load %arg6[%swap3A_13, %swap3A_14] : memref<10112x1xf32, #tpu.memory_space<vmem>>, vector<10112x1xf32>
    tpu.vector_store %arg6[%swap3A_13, %swap3A_14], %rsqrt3A_10 {strides = array<i32>} : memref<10112x1xf32, #tpu.memory_space<vmem>>, vector<10112x1xf32>,
    %get3A_16 = arith.constant 0 : index
    %get3A_17 = arith.constant 0 : index
    %get3A_18 = vector.load %arg0[%get3A_16, %get3A_17] : memref<10112x128xf32, #tpu.memory_space<vmem>>, vector<10112x128xf32>
    %mul3A = vector.broadcast %rsqrt3A : vector<10112x1xf32> to vector<10112x128xf32>
    %mul3A_19 = arith.mulf %get3A_18, %mul3A : vector<10112x128xf32>
    %get3A_20 = arith.constant 0 : index
    %get3A_21 = arith.constant 0 : index
    %get3A_22 = vector.load %arg1[%get3A_20, %get3A_21] : memref<128x64xf32, #tpu.memory_space<vmem>>, vector<128x64xf32>
    %dot_general3A = arith.constant dense<0.000000e+00> : vector<10112x64xf32>
    %dot_general3A_23 = tpu.matmul %mul3A_19, %get3A_22, %dot_general3A {dimension_numbers = #tpu.dot_dimension_numbers<[1], [0], [0], [1], [0, 0, 1, 1], [], []>, transpose_lhs_hint = false} : vector<10112x128xf32>, vector<128x64xf32>, vector<10112x64xf32> -> vector<10112x64xf32>
    %broadcast_in_dim3A = arith.constant 0.000000e+00 : f32
    %broadcast_in_dim3A_24 = vector.broadcast %broadcast_in_dim3A : f32 to vector<10112x64xf32>
    %concatenate3A = tpu.concatenate %dot_general3A_23, %broadcast_in_dim3A_24 in 1 : vector<10112x64xf32>, vector<10112x64xf32> -> vector<10112x128xf32>
    %swap3A_25 = arith.constant 0 : index
    %swap3A_26 = arith.constant 0 : index
    %swap3A_27 = vector.load %arg4[%swap3A_25, %swap3A_26] : memref<10112x128xf32, #tpu.memory_space<vmem>>, vector<10112x128xf32>
    tpu.vector_store %arg4[%swap3A_25, %swap3A_26], %concatenate3A {strides = array<i32>} : memref<10112x128xf32, #tpu.memory_space<vmem>>, vector<10112x128xf32>,
    return
  }
}

module attributes {stable_mosaic.version = 14 : i64} {
  func.func @_tc_mid_body(%arg0: memref<2x10112x128xf32, #tpu.memory_space<vmem>>, %arg1: memref<10112x1xf32, #tpu.memory_space<vmem>>, %arg2: memref<10112x1xf32, #tpu.memory_space<vmem>>, %arg3: memref<64x16xf32, #tpu.memory_space<vmem>>, %arg4: memref<10112x128xf32, #tpu.memory_space<vmem>>) attributes {dimension_semantics = [], scalar_prefetch = 0 : i64, scratch_operands = 0 : i64, tpu.core_type = #tpu.core_type<tc>} {
    %get3A = arith.constant 0 : index
    %get3A_0 = arith.constant 0 : index
    %get3A_1 = arith.constant 0 : index
    %get3A_2 = vector.load %arg0[%get3A, %get3A_0, %get3A_1] : memref<2x10112x128xf32, #tpu.memory_space<vmem>>, vector<1x10112x64xf32>
    %get3A_3 = vector.shape_cast %get3A_2 : vector<1x10112x64xf32> to vector<10112x64xf32>
    %get3A_4 = arith.constant 1 : index
    %get3A_5 = arith.constant 0 : index
    %get3A_6 = arith.constant 0 : index
    %get3A_7 = vector.load %arg0[%get3A_4, %get3A_5, %get3A_6] : memref<2x10112x128xf32, #tpu.memory_space<vmem>>, vector<1x10112x64xf32>
    %get3A_8 = vector.shape_cast %get3A_7 : vector<1x10112x64xf32> to vector<10112x64xf32>
    %add3A = arith.addf %get3A_3, %get3A_8 : vector<10112x64xf32>
    %get3A_9 = arith.constant 0 : index
    %get3A_10 = arith.constant 0 : index
    %get3A_11 = vector.load %arg1[%get3A_9, %get3A_10] : memref<10112x1xf32, #tpu.memory_space<vmem>>, vector<10112x1xf32>
    %mul3A = vector.broadcast %get3A_11 : vector<10112x1xf32> to vector<10112x64xf32>
    %mul3A_12 = arith.mulf %add3A, %mul3A : vector<10112x64xf32>
    %max3A = arith.constant 0.000000e+00 : f32
    %max3A_13 = vector.broadcast %max3A : f32 to vector<10112x64xf32>
    %max3A_14 = arith.maximumf %mul3A_12, %max3A_13 : vector<10112x64xf32>
    %get3A_15 = arith.constant 0 : index
    %get3A_16 = arith.constant 0 : index
    %get3A_17 = vector.load %arg2[%get3A_15, %get3A_16] : memref<10112x1xf32, #tpu.memory_space<vmem>>, vector<10112x1xf32>
    %mul3A_18 = vector.broadcast %get3A_17 : vector<10112x1xf32> to vector<10112x64xf32>
    %mul3A_19 = arith.mulf %max3A_14, %mul3A_18 : vector<10112x64xf32>
    %get3A_20 = arith.constant 0 : index
    %get3A_21 = arith.constant 0 : index
    %get3A_22 = vector.load %arg3[%get3A_20, %get3A_21] : memref<64x16xf32, #tpu.memory_space<vmem>>, vector<64x16xf32>
    %dot_general3A = arith.constant dense<0.000000e+00> : vector<10112x16xf32>
    %dot_general3A_23 = tpu.matmul %mul3A_19, %get3A_22, %dot_general3A {dimension_numbers = #tpu.dot_dimension_numbers<[1], [0], [0], [1], [0, 0, 1, 1], [], []>, transpose_lhs_hint = false} : vector<10112x64xf32>, vector<64x16xf32>, vector<10112x16xf32> -> vector<10112x16xf32>
    %broadcast_in_dim3A = arith.constant 0.000000e+00 : f32
    %broadcast_in_dim3A_24 = vector.broadcast %broadcast_in_dim3A : f32 to vector<10112x112xf32>
    %concatenate3A = tpu.concatenate %dot_general3A_23, %broadcast_in_dim3A_24 in 1 : vector<10112x16xf32>, vector<10112x112xf32> -> vector<10112x128xf32>
    %swap3A = arith.constant 0 : index
    %swap3A_25 = arith.constant 0 : index
    %swap3A_26 = vector.load %arg4[%swap3A, %swap3A_25] : memref<10112x128xf32, #tpu.memory_space<vmem>>, vector<10112x128xf32>
    tpu.vector_store %arg4[%swap3A, %swap3A_25], %concatenate3A {strides = array<i32>} : memref<10112x128xf32, #tpu.memory_space<vmem>>, vector<10112x128xf32>,
    return
  }
}

module attributes {stable_mosaic.version = 14 : i64} {
  func.func @_tc_out_body(%arg0: memref<2x10112x128xf32, #tpu.memory_space<vmem>>, %arg1: memref<10112x1xf32, #tpu.memory_space<vmem>>, %arg2: memref<10112x16xf32, #tpu.memory_space<vmem>>) attributes {dimension_semantics = [], scalar_prefetch = 0 : i64, scratch_operands = 0 : i64, tpu.core_type = #tpu.core_type<tc>} {
    %get3A = arith.constant 0 : index
    %get3A_0 = arith.constant 0 : index
    %get3A_1 = arith.constant 0 : index
    %get3A_2 = vector.load %arg0[%get3A, %get3A_0, %get3A_1] : memref<2x10112x128xf32, #tpu.memory_space<vmem>>, vector<1x10112x16xf32>
    %get3A_3 = vector.shape_cast %get3A_2 : vector<1x10112x16xf32> to vector<10112x16xf32>
    %get3A_4 = arith.constant 1 : index
    %get3A_5 = arith.constant 0 : index
    %get3A_6 = arith.constant 0 : index
    %get3A_7 = vector.load %arg0[%get3A_4, %get3A_5, %get3A_6] : memref<2x10112x128xf32, #tpu.memory_space<vmem>>, vector<1x10112x16xf32>
    %get3A_8 = vector.shape_cast %get3A_7 : vector<1x10112x16xf32> to vector<10112x16xf32>
    %add3A = arith.addf %get3A_3, %get3A_8 : vector<10112x16xf32>
    %get3A_9 = arith.constant 0 : index
    %get3A_10 = arith.constant 0 : index
    %get3A_11 = vector.load %arg1[%get3A_9, %get3A_10] : memref<10112x1xf32, #tpu.memory_space<vmem>>, vector<10112x1xf32>
    %mul3A = vector.broadcast %get3A_11 : vector<10112x1xf32> to vector<10112x16xf32>
    %mul3A_12 = arith.mulf %add3A, %mul3A : vector<10112x16xf32>
    %swap3A = arith.constant 0 : index
    %swap3A_13 = arith.constant 0 : index
    %swap3A_14 = vector.load %arg2[%swap3A, %swap3A_13] : memref<10112x16xf32, #tpu.memory_space<vmem>>, vector<10112x16xf32>
    tpu.vector_store %arg2[%swap3A, %swap3A_13], %mul3A_12 {strides = array<i32>} : memref<10112x16xf32, #tpu.memory_space<vmem>>, vector<10112x16xf32>,
    return
  }
}

</mosaic_0001>

<sc_bundles>
// kernel: kernel.11.cloned.1.call-start
scs
__scs_entry_jumppad:
0x0: {  	(pc) =	sbr.rel $0x88, $3  }
0x1: {  	(tag) =	ssettag $0x0;
	lr =	simm.s32 $0x1  }
0x2: {  	[smem:$0x3F9D] =	sst lr;
	_ =	strace $0xD0000000  }
0x3: {  	_ = 	snop  }
0x4: {  	_ = 	snop  }
0x5: {  	_ = 	snop  }
0x6: {  	_ = 	snop  }
0x7: {  	_ = 	snop  }
__scs_overlays_trampoline_lowered:
0x8: {  	[smem:$0x3FAC] =	sst s0  }
0x9: {  	[smem:$0x3FAD] =	sst s1  }
0xa: {  	[smem:$0x3FAE] =	sst s2  }
0xb: {  	[smem:$0x3FAF] =	sst s3  }
0xc: {  	[smem:$0x3FB0] =	sst s4  }
0xd: {  	[smem:$0x3FB1] =	sst s5  }
0xe: {  	[smem:$0x3FB2] =	sst s6  }
0xf: {  	[smem:$0x3FB3] =	sst s7  }
0x10: {  	[smem:$0x3FB4] =	sst s8  }
0x11: {  	[smem:$0x3FB5] =	sst s9;
	s0 =	simm.s32 @!p0 $0x0  }
0x12: {  	s1 =	sld [smem:$0x3F9B];
	s0 =	simm.s32 @p0 $0x1  }
0x13: {  	[smem:$0x3FB6] =	sst s0;
	s0 =	simm.s32 @!p1 $0x0  }
0x14: {  	s2 =	sld [smem:$0x3F9A];
	s0 =	simm.s32 @p1 $0x1  }
0x15: {  	[smem:$0x3FB7] =	sst s0;
	s0 =	simm.s32 @!p2 $0x0  }
0x16: {  	s3 =	sld [smem:$0x3FDB];
	s0 =	simm.s32 @p2 $0x1  }
0x17: {  	s4 =	simm.s32 $0x1BF5;
	[smem:$0x3FB9] =	sst s0  }
0x18: {  	s0 =	sld [smem:$0x3F9C];
	_ =	swait.ge [sflag:s4], $0x0  }
0x19: {  	s7 =	sld [smem:$0x3F9D]  }
0x1a: {  	s8 =	sadd.s32 $0xFFFFE003, lr  }
0x1b: {  	s9 =	sadd.s32 $0xFFFFFEF7, lr;
	s5 =	simm.s32 $0xFFFFFFFF;
	p2 =	slt.u32 s8, $0xFFFFF086  }
0x1c: {  	p1 =	slt.u32 s9, $0xF7A;
	s5 =	simm.s32 @!p2 $0x0  }
0x1d: {  	s5 =	simm.s32 @p1 $0x1;
	p0 =	seq.s32 s7, s2  }
0x1e: {  	s7 =	smul.u32 @!p0 $0xF7A, s2;
	p2 =	seq.s32 @!p0 s5, $0x0  }
0x1f: {  	s9 =	smul.u32 $0xF7A, s1;
	s8 =	simm.s32 @!p0 $0x1BF5;
	p2 =	por !p2, p0  }
0x20: {  	[sflag:s8] =	ssyncset.s32 @!p0 $0xFFFFF086;
	s6 =	sadd.s32 @!p0 s3, s7;
	s7 =	simm.s32 @!p0 $0x108  }
0x21: {  	s3 =	sadd.s32 s3, s9;
	s6 =	sadd.s32 @!p0 $0x88, s6;
	s7 =	simm.s32 @p2 $0x1082  }
0x22: {  	[simem:s7], [sflag:s8] =	dma.local @!p0 [hbm:s6], $0xF7A  }
0x23: {  	s9 =	sor.u32 $0xD0000000, s2;
	s6 =	simm.s32 $0x108;
	_ =	swait.ge @!p0 [sflag:s8], $0x0  }
0x24: {  	s3 =	sadd.s32 $0x88, s3;
	s6 =	simm.s32 @!p1 $0x1082;
	[sflag:s4] =	ssyncset.s32 $0xFFFFF086  }
0x25: {  	[simem:s6], [sflag:s4] =	dma.local [hbm:s3], $0xF7A  }
0x26: {  	[smem:$0x3F9D] =	sst s1;
	(tag) =	ssettag s2;
	_ =	strace s9  }
0x27: {  	s1 =	sld [smem:$0x3FAD]  }
0x28: {  	s2 =	sld [smem:$0x3FAE]  }
0x29: {  	s4 =	sld [smem:$0x3FB0]  }
0x2a: {  	p0 =	seq.s32 s5, $0x0;
	s5 =	sld [smem:$0x3FB1]  }
0x2b: {  	s6 =	sld [smem:$0x3FB2]  }
0x2c: {  	s7 =	sld [smem:$0x3FB3]  }
0x2d: {  	s3 =	simm.s32 $0x108;
	s8 =	sld [smem:$0x3FB4]  }
0x2e: {  	s3 =	simm.s32 @!p0 $0x1082;
	s9 =	sld [smem:$0x3FB5]  }
0x2f: {  	lr =	sadd.s32 s0, s3;
	s0 =	sld [smem:$0x3FAC]  }
0x30: {  	s3 =	sld [smem:$0x3FAF]  }
0x31: {  	[smem:$0x3FB8] =	sst s10  }
0x32: {  	s10 =	sld [smem:$0x3FB6];
	_ =	sdelay $0x3  }
0x33: {  	p0 =	seq.s32 s10, $0x1;
	s10 =	sld [smem:$0x3FB8];
	_ =	sdelay $0x3  }
0x34: {  	[smem:$0x3FB8] =	sst s10  }
0x35: {  	s10 =	sld [smem:$0x3FB7];
	_ =	sdelay $0x3  }
0x36: {  	p1 =	seq.s32 s10, $0x1;
	s10 =	sld [smem:$0x3FB8];
	_ =	sdelay $0x3  }
0x37: {  	[smem:$0x3FB8] =	sst s10  }
0x38: {  	s10 =	sld [smem:$0x3FB9]  }
0x39: {  	_ = 	snop;
	(pc) =	sbr.ind lr, $3  }
0x3a: {  	_ = 	snop  }
0x3b: {  	_ = 	snop  }
0x3c: {  	p2 =	seq.s32 s10, $0x1;
	s10 =	sld [smem:$0x3FB8]  }
0x3d: {  	_ =	shalt  }
0x3e: {  	_ =	shalt  }
0x3f: {  	_ =	shalt  }
0x40: {  	_ =	shalt  }
0x41: {  	_ =	shalt  }
0x42: {  	_ =	shalt  }
0x43: {  	_ =	shalt  }
0x44: {  	_ =	shalt  }
0x45: {  	_ =	shalt  }
0x46: {  	_ =	shalt  }
0x47: {  	_ =	shalt  }
0x48: {  	_ =	shalt  }
0x49: {  	_ =	shalt  }
0x4a: {  	_ =	shalt  }
0x4b: {  	_ =	shalt  }
0x4c: {  	_ =	shalt  }
0x4d: {  	_ =	shalt  }
0x4e: {  	_ =	shalt  }
0x4f: {  	_ =	shalt  }
0x50: {  	_ =	shalt  }
0x51: {  	_ =	shalt  }
0x52: {  	_ =	shalt  }
0x53: {  	_ =	shalt  }
0x54: {  	_ =	shalt  }
0x55: {  	_ =	shalt  }
0x56: {  	_ =	shalt  }
0x57: {  	_ =	shalt  }
0x58: {  	_ =	shalt  }
0x59: {  	_ =	shalt  }
0x5a: {  	_ =	shalt  }
0x5b: {  	_ =	shalt  }
0x5c: {  	_ =	shalt  }
0x5d: {  	_ =	shalt  }
0x5e: {  	_ =	shalt  }
0x5f: {  	_ =	shalt  }
0x60: {  	_ =	shalt  }
0x61: {  	_ =	shalt  }
0x62: {  	_ =	shalt  }
0x63: {  	_ =	shalt  }
0x64: {  	_ =	shalt  }
0x65: {  	_ =	shalt  }
0x66: {  	_ =	shalt  }
0x67: {  	_ =	shalt  }
0x68: {  	_ =	shalt  }
0x69: {  	_ =	shalt  }
0x6a: {  	_ =	shalt  }
0x6b: {  	_ =	shalt  }
0x6c: {  	_ =	shalt  }
0x6d: {  	_ =	shalt  }
0x6e: {  	_ =	shalt  }
0x6f: {  	_ =	shalt  }
0x70: {  	_ =	shalt  }
0x71: {  	_ =	shalt  }
0x72: {  	_ =	shalt  }
0x73: {  	_ =	shalt  }
0x74: {  	_ =	shalt  }
0x75: {  	_ =	shalt  }
0x76: {  	_ =	shalt  }
0x77: {  	_ =	shalt  }
0x78: {  	_ =	shalt  }
0x79: {  	_ =	shalt  }
0x7a: {  	_ =	shalt  }
0x7b: {  	_ =	shalt  }
0x7c: {  	_ =	shalt  }
0x7d: {  	_ =	shalt  }
0x7e: {  	_ =	shalt  }
0x7f: {  	_ =	shalt  }
0x80: {  	_ =	shalt  }
0x81: {  	_ =	shalt  }
0x82: {  	_ =	shalt  }
0x83: {  	_ =	shalt  }
0x84: {  	_ =	shalt  }
0x85: {  	_ =	shalt  }
0x86: {  	_ =	shalt  }
0x87: {  	_ =	shalt  }
.Lfunc_end0:
.L_simem_size_0:
called_computation.1_lowered:
.L_overlay_start_0:
0x88: {  	s2 =	sld [smem:$0x3FD9]  }
0x89: {  	s3 =	sld [smem:$0x3FFE];
	_ =	sdelay $0x1  }
0x8a: {  	s1 =	srdreg.scid  }
0x8b: {  	s0 =	sand.u32 $0x1, s1  }
0x8c: {  	s16 =	sshll.u32 s0, $0xA;
	s2 =	sadd.s32 s3, s2  }
0x8d: {  	s2 =	sadd.s32 s2, s16  }
0x8e: {  	[smem:$0x3FC4] =	sst s2  }
0x8f: {  	_ = 	snop  }
0x90: {  	(tm) =	ssettm $0x1  }
0x91: {  	s17 =	sld [smem:$0x3FFB];
	_ =	sdelay $0x3  }
0x92: {  	_ =	strace s17  }
0x93: {  	s2 =	sld [smem:$0x3FFC];
	_ =	sdelay $0x3  }
0x94: {  	_ =	strace s2  }
0x95: {  	s2 =	sld [smem:$0x3FFD];
	_ =	sdelay $0x3  }
0x96: {  	_ =	strace s2  }
0x97: {  	_ =	strace $0x8FFFFFFF  }
0x98: {  	s18 =	sld [smem:$0x3FDB];
	_ =	sdelay $0x1  }
0x99: {  	s19 =	simm.s32 $_scs_section_size  }
0x9a: {  	s4 =	simm.s32 $_size__tile_overlayer_lowered;
	s5 =	simm.s32 $_tile_overlayer_lowered  }
0x9b: {  	s22 =	simm.s32 $0x1BFF;
	s21 =	sshll.u32 s5, $0x1;
	s2 =	sadd.s32 s19, s18  }
0x9c: {  	s6 =	simm.s32 $0x0;
	s20 =	sshll.u32 s4, $0x1;
	s4 =	sadd.s32 s21, s2  }
0x9d: {  	[timem:s6], [sflag:s22] =	dma.local [hbm:s4], s20  }
0x9e: {  	_ =	swait.ge [sflag:s22], s20  }
0x9f: {  	s3 =	ssub.s32 $0x0, s20;
	[sflag:s22] =	ssyncset.done $0x0  }
0xa0: {  	[sflag:s22] =	ssyncadd.s32 s3;
	_ =	sdelay $0x1  }
0xa1: {  	s23 =	simm.s32 $0x1B8B  }
0xa2: {  	_ =	swait.ge [sflag:s23], $0x1  }
0xa3: {  	[sflag:s23] =	ssyncset.done $0x0  }
0xa4: {  	s25 =	simm.s32 $0x1B8E;
	s24 =	sld [smem:$0x3FFE];
	[sflag:s23] =	ssyncadd.s32 $0xFFFFFFFF  }
0xa5: {  	s26 =	simm.s32 $execute0_lowered;
	[smem:$0x3FD2] =	sst s25  }
0xa6: {  	s4 =	sshll.u32 s26, $0x1;
	_ =	strace $0x80000049;
	[dreg:$0x1] =	wrdreg $0xFFFFFFFF  }
0xa7: {  	s28 =	simm.s32 $_size_execute0_lowered;
	s2 =	sadd.s32 s2, s4;
	[dreg:$0x0] =	wrdreg $0x0  }
0xa8: {  	s4 =	sshll.u32 s28, $0x1;
	[dreg:$0x2] =	wrdreg s2  }
0xa9: {  	[dreg:$0x3] =	wrdreg s4  }
0xaa: {  	[dreg:$0x4] =	wrdreg $0xC0  }
0xab: {  	_ =	task [dreg:s6], $0x5FFFF  }
0xac: {  	[dreg:$0x1] =	wrdreg $0xFFFFFFFF  }
0xad: {  	[dreg:$0x0] =	wrdreg $0x60  }
0xae: {  	[dreg:$0x2] =	wrdreg s24  }
0xaf: {  	[dreg:$0x3] =	wrdreg $0x90000  }
0xb0: {  	[dreg:$0x4] =	wrdreg $0x9  }
0xb1: {  	_ =	task.clear_ibuf [dreg:s6], $0x5FFFF;
	_ =	strace $0x90000049  }
0xb2: {  	s29 =	simm.s32 $0x9;
	_ =	strace $0x8000004B  }
0xb3: {  	_ =	swait.ge [sflag:s29], $0x1  }
0xb4: {  	[sflag:s29] =	ssyncadd.s32 $0xFFFFFFFF  }
0xb5: {  	_ =	strace $0x9000004B  }
0xb6: {  	_ =	sfence  }
0xb7: {  	s30 =	sld [smem:$0x0];
	_ =	sdelay $0x2  }
0xb8: {  	s31 =	sshll.u32 s1, $0xD;
	s1 =	sshrl.u32 s1, $0x2  }
0xb9: {  	s3 =	sand.u32 $0x4000, s31;
	s1 =	sadd.s32 s1, s30  }
0xba: {  	s0 =	sor.u32 s3, s0;
	s1 =	sshll.u32 s1, $0x11  }
0xbb: {  	s0 =	sor.u32 s1, s0  }
0xbc: {  	s0 =	sadd.s32 $0x8F2B, s0  }
0xbd: {  	[sflag:s0] =	ssyncadd.remote.s32 $0x1  }
0xbe: {  	_ =	sfence.sel $0xFFFF  }
0xbf: {  	[dreg:$0x0] =	wrdreg $0xFFFFFFFF;
	(pc) =	sbr.abs _section_cstart, $3  }
0xc0: {  	[dreg:$0x1] =	wrdreg $0xFFFFFFFF  }
0xc1: {  	_ =	task.clear_ibuf [dreg:s6], $0x2FFFF;
	_ =	strace $0x9FFFFFFF  }
0xc2: {  	(tm) =	ssettm $0x7FFFFFFF  }
0xc3: {  	_ =	shalt  }
tec
execute0_lowered:
.L_overlay_start_1:
0x0: {  	(tag) =	ssettag $0x1  }
0x1: {  	s1 =	srdreg.scid;
	s5 =	rddreg [dreg:$0x0]  }
0x2: {  	s0 =	stileid.u32;
	s2 =	rddreg [dreg:$0x1];
	s3 =	simm.s32 $0x0  }
0x3: {  	s14 =	simm.s32 $0x80;
	s15 =	simm.s32 $0x5000;
	s16 =	simm.s32 $0x1  }
0x4: {  	s17 =	simm.s32 $0x0;
	s6 =	sand.u32 $0x1, s1;
	s1 =	rddreg [dreg:$0x2]  }
0x5: {  	s26 =	sshll.u32 s0, $0x1;
	[smem:$0x7FF] =	sst s3;
	s8 =	smul.u32 $0x13C00, s0  }
0x6: {  	s29 =	smul.u32 $0x4F000, s0;
	s31 =	sshll.u32 s0, $0x6;
	s4 =	sor.u32 s6, s26  }
0x7: {  	_ =	strace $0x8000004A;
	s9 =	smul.u32 $0x13C000, s6;
	s6 =	ssub.s32 $0x2, s6  }
0x8: {  	s7 =	smul.u32 $0x500, s4;
	s4 =	sadd.s32 $0x3D400, s5;
	s28 =	sshrl.u32 s8, $0x3  }
0x9: {  	s11 =	sshrl.u32 s6, $0x1;
	s30 =	sshrl.u32 s29, $0x2;
	s8 =	sadd.s32 s8, s9  }
0xa: {  	s11 =	ssub.s32 s6, s11;
	s13 =	sadd.s32 s30, s2;
	s6 =	sor.u32 $0x1C02, s31  }
0xb: {  	s10 =	sadd.s32 s7, s5;
	s7 =	sadd.s32 s28, s5;
	s8 =	sshrl.u32 s8, $0x3  }
0xc: {  	s12 =	sadd.s32 s8, s5;
	s5 =	sadd.s32 $0x15C00, s7;
	s7 =	sadd.s32 $0x8C400, s10  }
0xd: {  	s8 =	sadd.s32 $0x96400, s10;
	s10 =	smax.u32 s11, $0x1;
	s11 =	sshrl.u32 s13, $0x3  }
0xe: {  	s13 =	simm.s32 $0x2800;
	s9 =	sadd.s32 $0xA0400, s12;
	s12 =	simm.s32 $0x2  }
.LBB2_1:
0xf: {  	[spmem:s11], [sflag:s6] =	dma.local [hbm:s5], $0x2780  }
0x10: {  	_ =	swait.ge [sflag:s12], $0x2780  }
0x11: {  	[sflag:s12] =	ssyncset.done $0x0  }
0x12: {  	[sflag:s12] =	ssyncadd.s32 $0xFFFFD880  }
0x13: {  	[tilespmem:s3], [sflag:$0x2] =	stream.linear.gather [hbm4b:s7+s3], $0x2780, $0x38;
	[tilespmem:$0x1CC00] =	vst v63  }
0x14: {  	_ =	swait.ge [sflag:s12], $0x2780  }
0x15: {  	[sflag:s12] =	ssyncset.done $0x0  }
0x16: {  	[sflag:s12] =	ssyncadd.s32 $0xFFFFD880  }
0x17: {  	[tilespmem:s13], [sflag:$0x2] =	stream.linear.gather [hbm4b:s8+s3], $0x2780, $0x38;
	[tilespmem:$0x1CC00] =	vst v63  }
0x18: {  	_ =	swait.ge [sflag:s12], $0x2780  }
0x19: {  	[sflag:s12] =	ssyncset.done $0x0  }
0x1a: {  	[sflag:s12] =	ssyncadd.s32 $0xFFFFD880  }
0x1b: {  	s18 =	simm.s32 $0x0;
	[bflag:$0x0] =	sbarrier.arrive $0xFFFF  }
0x1c: {  	[tilespmem:s15], [sflag:$0x1] =	stream.indirect.gather [hbm4b:s4+s14], $0x80, s18, s14, $0xb8;
	[tilespmem:$0x1CC00] =	vst v63  }
0x1d: {  	_ =	swait.ge [sflag:s16], $0x4000  }
0x1e: {  	[sflag:s16] =	ssyncset.done $0x0  }
0x1f: {  	s31 =	simm.s32 $0x2800;
	[sflag:s16] =	ssyncadd.s32 $0xFFFFC000  }
0x20: {  	[spmem:s2] =	stream.indirect.scatter.add.f32 [tilespmem:s15], [sflag:$0x2], $0x80, s31, s14, $0xb8;
	[tilespmem:$0x1CC00] =	vst v63  }
0x21: {  	_ =	swait.ge [sflag:s12], $0x4000  }
0x22: {  	s19 =	simm.s32 $0x400;
	s18 =	simm.s32 $0x200;
	[sflag:s12] =	ssyncset.done $0x0  }
.LBB2_2:
0x23: {  	s20 =	sshra.s32 s18, $0x2  }
0x24: {  	[sflag:s12] =	ssyncadd.s32 $0xFFFFC000;
	s18 =	smov.u32 s19;
	s21 =	sadd.s32 $0x200, s19  }
0x25: {  	[tilespmem:s15], [sflag:$0x1] =	stream.indirect.gather [hbm4b:s4+s14], $0x80, s20, s14, $0xb8;
	[tilespmem:$0x1CC00] =	vst v63  }
0x26: {  	p0 =	sne.s32 s19, $0x9C00;
	_ =	swait.ge [sflag:s16], $0x4000  }
.Ltmp0:
0x27: {  	[sflag:s16] =	ssyncset.done $0x0;
	(pc) =	sbr.rel @p0 .LBB2_2-.Ltmp0, $4  }
0x28: {  	s19 =	sadd.s32 $0x2800, s20;
	[sflag:s16] =	ssyncadd.s32 $0xFFFFC000  }
0x29: {  	[spmem:s2] =	stream.indirect.scatter.add.f32 [tilespmem:s15], [sflag:$0x2], $0x80, s19, s14, $0xb8;
	[tilespmem:$0x1CC00] =	vst v63  }
0x2a: {  	_ =	swait.ge [sflag:s12], $0x4000  }
0x2b: {  	s19 =	smov.u32 s21;
	[sflag:s12] =	ssyncset.done $0x0  }
0x2c: {  	s18 =	sshra.s32 s18, $0x2;
	[sflag:s12] =	ssyncadd.s32 $0xFFFFC000  }
0x2d: {  	[tilespmem:s15], [sflag:$0x1] =	stream.indirect.gather [hbm4b:s4+s14], $0x80, s18, s14, $0xb8;
	[tilespmem:$0x1CC00] =	vst v63  }
0x2e: {  	_ =	swait.ge [sflag:s16], $0x4000  }
0x2f: {  	[sflag:s16] =	ssyncset.done $0x0  }
0x30: {  	s18 =	sadd.s32 $0x2800, s18;
	[sflag:s16] =	ssyncadd.s32 $0xFFFFC000  }
0x31: {  	[spmem:s2] =	stream.indirect.scatter.add.f32 [tilespmem:s15], [sflag:$0x2], $0x80, s18, s14, $0xb8;
	[tilespmem:$0x1CC00] =	vst v63  }
0x32: {  	_ =	swait.ge [sflag:s12], $0x4000  }
0x33: {  	s17 =	sadd.s32 $0x1, s17;
	[sflag:s12] =	ssyncset.done $0x0  }
0x34: {  	p0 =	sne.s32 s17, s10;
	[sflag:s12] =	ssyncadd.s32 $0xFFFFC000  }
.Ltmp1:
0x35: {  	[bflag:$0x0] =	sbarrier.arrive $0xFFFF;
	(pc) =	sbr.rel @p0 .LBB2_1-.Ltmp1, $4  }
0x36: {  	[hbm:s9], [sflag:s6] =	dma.local [spmem:s11], $0x2780  }
0x37: {  	_ =	swait.ge [sflag:s12], $0x2780  }
0x38: {  	[sflag:s12] =	ssyncset.done $0x0  }
0x39: {  	[sflag:s12] =	ssyncadd.s32 $0xFFFFD880  }
0x3a: {  	_ =	sfence.sel $0x180000  }
0x3b: {  	[bflag:$0x0] =	sbarrier.arrive $0xFFFF  }
0x3c: {  	p0 =	sne.s32 s0, $0x0;
	_ =	strace $0x9000004A  }
0x3d: {  	s0 =	sadd.s32 @!p0 $0x100000, s1;
	[bflag:$0x2] =	sbarrier.arrive $0xFFFF  }
0x3e: {  	[sflag:s0] =	ssyncadd.tile.s32 @!p0 $0x1;
	_ =	shalt  }
.Lfunc_end2:
_tile_overlayer_lowered:
.L_overlay_start_2:
0x3f: {  	(tag) =	ssettag $0x2  }
0x40: {  	s0 =	rddreg [dreg:$0x0];
	s2 =	stileid.u32  }
0x41: {  	s1 =	rddreg [dreg:$0x1];
	p0 =	sne.s32 s2, $0x0  }
0x42: {  	s3 =	rddreg [dreg:$0x2];
	[bflag:$0x3] =	sbarrier.arrive $0xFFFF;
	s2 =	simm.s32 @!p0 $0x1C02  }
0x43: {  	[timem:s3], [sflag:s2] =	dma.local @!p0 [hbm:s0], s1  }
0x44: {  	s0 =	simm.s32 @!p0 $0x2  }
0x45: {  	_ =	swait.ge @!p0 [sflag:s0], s1  }
0x46: {  	s1 =	ssub.s32 @!p0 $0x0, s1;
	[sflag:s0] =	ssyncset.done @!p0 $0x0  }
0x47: {  	[sflag:s0] =	ssyncadd.s32 @!p0 s1  }
0x48: {  	[bflag:$0x3] =	sbarrier.arrive $0xFFFF  }
0x49: {  	_ =	shalt  }

// kernel: kernel.14.cloned.1.call-start
scs
__scs_entry_jumppad:
0x0: {  	(pc) =	sbr.rel $0x88, $3  }
0x1: {  	(tag) =	ssettag $0x0;
	lr =	simm.s32 $0x1  }
0x2: {  	[smem:$0x3F9D] =	sst lr;
	_ =	strace $0xD0000000  }
0x3: {  	_ = 	snop  }
0x4: {  	_ = 	snop  }
0x5: {  	_ = 	snop  }
0x6: {  	_ = 	snop  }
0x7: {  	_ = 	snop  }
__scs_overlays_trampoline_lowered:
0x8: {  	[smem:$0x3FAC] =	sst s0  }
0x9: {  	[smem:$0x3FAD] =	sst s1  }
0xa: {  	[smem:$0x3FAE] =	sst s2  }
0xb: {  	[smem:$0x3FAF] =	sst s3  }
0xc: {  	[smem:$0x3FB0] =	sst s4  }
0xd: {  	[smem:$0x3FB1] =	sst s5  }
0xe: {  	[smem:$0x3FB2] =	sst s6  }
0xf: {  	[smem:$0x3FB3] =	sst s7  }
0x10: {  	[smem:$0x3FB4] =	sst s8  }
0x11: {  	[smem:$0x3FB5] =	sst s9;
	s0 =	simm.s32 @!p0 $0x0  }
0x12: {  	s1 =	sld [smem:$0x3F9B];
	s0 =	simm.s32 @p0 $0x1  }
0x13: {  	[smem:$0x3FB6] =	sst s0;
	s0 =	simm.s32 @!p1 $0x0  }
0x14: {  	s2 =	sld [smem:$0x3F9A];
	s0 =	simm.s32 @p1 $0x1  }
0x15: {  	[smem:$0x3FB7] =	sst s0;
	s0 =	simm.s32 @!p2 $0x0  }
0x16: {  	s3 =	sld [smem:$0x3FDB];
	s0 =	simm.s32 @p2 $0x1  }
0x17: {  	s4 =	simm.s32 $0x1BF5;
	[smem:$0x3FB9] =	sst s0  }
0x18: {  	s0 =	sld [smem:$0x3F9C];
	_ =	swait.ge [sflag:s4], $0x0  }
0x19: {  	s7 =	sld [smem:$0x3F9D]  }
0x1a: {  	s8 =	sadd.s32 $0xFFFFE003, lr  }
0x1b: {  	s9 =	sadd.s32 $0xFFFFFEF7, lr;
	s5 =	simm.s32 $0xFFFFFFFF;
	p2 =	slt.u32 s8, $0xFFFFF086  }
0x1c: {  	p1 =	slt.u32 s9, $0xF7A;
	s5 =	simm.s32 @!p2 $0x0  }
0x1d: {  	s5 =	simm.s32 @p1 $0x1;
	p0 =	seq.s32 s7, s2  }
0x1e: {  	s7 =	smul.u32 @!p0 $0xF7A, s2;
	p2 =	seq.s32 @!p0 s5, $0x0  }
0x1f: {  	s9 =	smul.u32 $0xF7A, s1;
	s8 =	simm.s32 @!p0 $0x1BF5;
	p2 =	por !p2, p0  }
0x20: {  	[sflag:s8] =	ssyncset.s32 @!p0 $0xFFFFF086;
	s6 =	sadd.s32 @!p0 s3, s7;
	s7 =	simm.s32 @!p0 $0x108  }
0x21: {  	s3 =	sadd.s32 s3, s9;
	s6 =	sadd.s32 @!p0 $0x88, s6;
	s7 =	simm.s32 @p2 $0x1082  }
0x22: {  	[simem:s7], [sflag:s8] =	dma.local @!p0 [hbm:s6], $0xF7A  }
0x23: {  	s9 =	sor.u32 $0xD0000000, s2;
	s6 =	simm.s32 $0x108;
	_ =	swait.ge @!p0 [sflag:s8], $0x0  }
0x24: {  	s3 =	sadd.s32 $0x88, s3;
	s6 =	simm.s32 @!p1 $0x1082;
	[sflag:s4] =	ssyncset.s32 $0xFFFFF086  }
0x25: {  	[simem:s6], [sflag:s4] =	dma.local [hbm:s3], $0xF7A  }
0x26: {  	[smem:$0x3F9D] =	sst s1;
	(tag) =	ssettag s2;
	_ =	strace s9  }
0x27: {  	s1 =	sld [smem:$0x3FAD]  }
0x28: {  	s2 =	sld [smem:$0x3FAE]  }
0x29: {  	s4 =	sld [smem:$0x3FB0]  }
0x2a: {  	p0 =	seq.s32 s5, $0x0;
	s5 =	sld [smem:$0x3FB1]  }
0x2b: {  	s6 =	sld [smem:$0x3FB2]  }
0x2c: {  	s7 =	sld [smem:$0x3FB3]  }
0x2d: {  	s3 =	simm.s32 $0x108;
	s8 =	sld [smem:$0x3FB4]  }
0x2e: {  	s3 =	simm.s32 @!p0 $0x1082;
	s9 =	sld [smem:$0x3FB5]  }
0x2f: {  	lr =	sadd.s32 s0, s3;
	s0 =	sld [smem:$0x3FAC]  }
0x30: {  	s3 =	sld [smem:$0x3FAF]  }
0x31: {  	[smem:$0x3FB8] =	sst s10  }
0x32: {  	s10 =	sld [smem:$0x3FB6];
	_ =	sdelay $0x3  }
0x33: {  	p0 =	seq.s32 s10, $0x1;
	s10 =	sld [smem:$0x3FB8];
	_ =	sdelay $0x3  }
0x34: {  	[smem:$0x3FB8] =	sst s10  }
0x35: {  	s10 =	sld [smem:$0x3FB7];
	_ =	sdelay $0x3  }
0x36: {  	p1 =	seq.s32 s10, $0x1;
	s10 =	sld [smem:$0x3FB8];
	_ =	sdelay $0x3  }
0x37: {  	[smem:$0x3FB8] =	sst s10  }
0x38: {  	s10 =	sld [smem:$0x3FB9]  }
0x39: {  	_ = 	snop;
	(pc) =	sbr.ind lr, $3  }
0x3a: {  	_ = 	snop  }
0x3b: {  	_ = 	snop  }
0x3c: {  	p2 =	seq.s32 s10, $0x1;
	s10 =	sld [smem:$0x3FB8]  }
0x3d: {  	_ =	shalt  }
0x3e: {  	_ =	shalt  }
0x3f: {  	_ =	shalt  }
0x40: {  	_ =	shalt  }
0x41: {  	_ =	shalt  }
0x42: {  	_ =	shalt  }
0x43: {  	_ =	shalt  }
0x44: {  	_ =	shalt  }
0x45: {  	_ =	shalt  }
0x46: {  	_ =	shalt  }
0x47: {  	_ =	shalt  }
0x48: {  	_ =	shalt  }
0x49: {  	_ =	shalt  }
0x4a: {  	_ =	shalt  }
0x4b: {  	_ =	shalt  }
0x4c: {  	_ =	shalt  }
0x4d: {  	_ =	shalt  }
0x4e: {  	_ =	shalt  }
0x4f: {  	_ =	shalt  }
0x50: {  	_ =	shalt  }
0x51: {  	_ =	shalt  }
0x52: {  	_ =	shalt  }
0x53: {  	_ =	shalt  }
0x54: {  	_ =	shalt  }
0x55: {  	_ =	shalt  }
0x56: {  	_ =	shalt  }
0x57: {  	_ =	shalt  }
0x58: {  	_ =	shalt  }
0x59: {  	_ =	shalt  }
0x5a: {  	_ =	shalt  }
0x5b: {  	_ =	shalt  }
0x5c: {  	_ =	shalt  }
0x5d: {  	_ =	shalt  }
0x5e: {  	_ =	shalt  }
0x5f: {  	_ =	shalt  }
0x60: {  	_ =	shalt  }
0x61: {  	_ =	shalt  }
0x62: {  	_ =	shalt  }
0x63: {  	_ =	shalt  }
0x64: {  	_ =	shalt  }
0x65: {  	_ =	shalt  }
0x66: {  	_ =	shalt  }
0x67: {  	_ =	shalt  }
0x68: {  	_ =	shalt  }
0x69: {  	_ =	shalt  }
0x6a: {  	_ =	shalt  }
0x6b: {  	_ =	shalt  }
0x6c: {  	_ =	shalt  }
0x6d: {  	_ =	shalt  }
0x6e: {  	_ =	shalt  }
0x6f: {  	_ =	shalt  }
0x70: {  	_ =	shalt  }
0x71: {  	_ =	shalt  }
0x72: {  	_ =	shalt  }
0x73: {  	_ =	shalt  }
0x74: {  	_ =	shalt  }
0x75: {  	_ =	shalt  }
0x76: {  	_ =	shalt  }
0x77: {  	_ =	shalt  }
0x78: {  	_ =	shalt  }
0x79: {  	_ =	shalt  }
0x7a: {  	_ =	shalt  }
0x7b: {  	_ =	shalt  }
0x7c: {  	_ =	shalt  }
0x7d: {  	_ =	shalt  }
0x7e: {  	_ =	shalt  }
0x7f: {  	_ =	shalt  }
0x80: {  	_ =	shalt  }
0x81: {  	_ =	shalt  }
0x82: {  	_ =	shalt  }
0x83: {  	_ =	shalt  }
0x84: {  	_ =	shalt  }
0x85: {  	_ =	shalt  }
0x86: {  	_ =	shalt  }
0x87: {  	_ =	shalt  }
.Lfunc_end0:
.L_simem_size_0:
called_computation.2_lowered:
.L_overlay_start_0:
0x88: {  	s2 =	sld [smem:$0x3FD9]  }
0x89: {  	s3 =	sld [smem:$0x3FFE];
	_ =	sdelay $0x1  }
0x8a: {  	s1 =	srdreg.scid  }
0x8b: {  	s0 =	sand.u32 $0x1, s1  }
0x8c: {  	s16 =	sshll.u32 s0, $0xA;
	s2 =	sadd.s32 s3, s2  }
0x8d: {  	s2 =	sadd.s32 s2, s16  }
0x8e: {  	[smem:$0x3FC4] =	sst s2  }
0x8f: {  	_ = 	snop  }
0x90: {  	(tm) =	ssettm $0x1  }
0x91: {  	s17 =	sld [smem:$0x3FFB];
	_ =	sdelay $0x3  }
0x92: {  	_ =	strace s17  }
0x93: {  	s2 =	sld [smem:$0x3FFC];
	_ =	sdelay $0x3  }
0x94: {  	_ =	strace s2  }
0x95: {  	s2 =	sld [smem:$0x3FFD];
	_ =	sdelay $0x3  }
0x96: {  	_ =	strace s2  }
0x97: {  	_ =	strace $0x8FFFFFFF  }
0x98: {  	s18 =	sld [smem:$0x3FDB];
	_ =	sdelay $0x1  }
0x99: {  	s19 =	simm.s32 $_scs_section_size  }
0x9a: {  	s4 =	simm.s32 $_size__tile_overlayer_lowered;
	s5 =	simm.s32 $_tile_overlayer_lowered  }
0x9b: {  	s22 =	simm.s32 $0x1BFF;
	s21 =	sshll.u32 s5, $0x1;
	s2 =	sadd.s32 s19, s18  }
0x9c: {  	s6 =	simm.s32 $0x0;
	s20 =	sshll.u32 s4, $0x1;
	s4 =	sadd.s32 s21, s2  }
0x9d: {  	[timem:s6], [sflag:s22] =	dma.local [hbm:s4], s20  }
0x9e: {  	_ =	swait.ge [sflag:s22], s20  }
0x9f: {  	s3 =	ssub.s32 $0x0, s20;
	[sflag:s22] =	ssyncset.done $0x0  }
0xa0: {  	[sflag:s22] =	ssyncadd.s32 s3;
	_ =	sdelay $0x1  }
0xa1: {  	s23 =	simm.s32 $0x1B8B  }
0xa2: {  	_ =	swait.ge [sflag:s23], $0x1  }
0xa3: {  	[sflag:s23] =	ssyncset.done $0x0  }
0xa4: {  	s25 =	simm.s32 $0x1B8E;
	s24 =	sld [smem:$0x3FFE];
	[sflag:s23] =	ssyncadd.s32 $0xFFFFFFFF  }
0xa5: {  	s26 =	simm.s32 $execute0_lowered;
	[smem:$0x3FD2] =	sst s25  }
0xa6: {  	s4 =	sshll.u32 s26, $0x1;
	_ =	strace $0x8000004C;
	[dreg:$0x1] =	wrdreg $0xFFFFFFFF  }
0xa7: {  	s28 =	simm.s32 $_size_execute0_lowered;
	s2 =	sadd.s32 s2, s4;
	[dreg:$0x0] =	wrdreg $0x0  }
0xa8: {  	s4 =	sshll.u32 s28, $0x1;
	[dreg:$0x2] =	wrdreg s2  }
0xa9: {  	[dreg:$0x3] =	wrdreg s4  }
0xaa: {  	[dreg:$0x4] =	wrdreg $0xC0  }
0xab: {  	_ =	task [dreg:s6], $0x5FFFF  }
0xac: {  	[dreg:$0x1] =	wrdreg $0xFFFFFFFF  }
0xad: {  	[dreg:$0x0] =	wrdreg $0x60  }
0xae: {  	[dreg:$0x2] =	wrdreg s24  }
0xaf: {  	[dreg:$0x3] =	wrdreg $0x90000  }
0xb0: {  	[dreg:$0x4] =	wrdreg $0x9  }
0xb1: {  	_ =	task.clear_ibuf [dreg:s6], $0x5FFFF;
	_ =	strace $0x9000004C  }
0xb2: {  	s29 =	simm.s32 $0x9;
	_ =	strace $0x8000004E  }
0xb3: {  	_ =	swait.ge [sflag:s29], $0x1  }
0xb4: {  	[sflag:s29] =	ssyncadd.s32 $0xFFFFFFFF  }
0xb5: {  	_ =	strace $0x9000004E  }
0xb6: {  	_ =	sfence  }
0xb7: {  	s30 =	sld [smem:$0x0];
	_ =	sdelay $0x2  }
0xb8: {  	s31 =	sshll.u32 s1, $0xD;
	s1 =	sshrl.u32 s1, $0x2  }
0xb9: {  	s3 =	sand.u32 $0x4000, s31;
	s1 =	sadd.s32 s1, s30  }
0xba: {  	s0 =	sor.u32 s3, s0;
	s1 =	sshll.u32 s1, $0x11  }
0xbb: {  	s0 =	sor.u32 s1, s0  }
0xbc: {  	s0 =	sadd.s32 $0x8F2B, s0  }
0xbd: {  	[sflag:s0] =	ssyncadd.remote.s32 $0x1  }
0xbe: {  	_ =	sfence.sel $0xFFFF  }
0xbf: {  	[dreg:$0x0] =	wrdreg $0xFFFFFFFF;
	(pc) =	sbr.abs _section_cstart, $3  }
0xc0: {  	[dreg:$0x1] =	wrdreg $0xFFFFFFFF  }
0xc1: {  	_ =	task.clear_ibuf [dreg:s6], $0x2FFFF;
	_ =	strace $0x9FFFFFFF  }
0xc2: {  	(tm) =	ssettm $0x7FFFFFFF  }
0xc3: {  	_ =	shalt  }
tec
execute0_lowered:
.L_overlay_start_1:
0x0: {  	(tag) =	ssettag $0x1  }
0x1: {  	s1 =	srdreg.scid;
	s5 =	rddreg [dreg:$0x0]  }
0x2: {  	s0 =	stileid.u32;
	s2 =	rddreg [dreg:$0x1];
	s3 =	simm.s32 $0x0  }
0x3: {  	s14 =	simm.s32 $0x80;
	s15 =	simm.s32 $0x5000;
	s16 =	simm.s32 $0x1  }
0x4: {  	s17 =	simm.s32 $0x0;
	s6 =	sand.u32 $0x1, s1;
	s1 =	rddreg [dreg:$0x2]  }
0x5: {  	s26 =	sshll.u32 s0, $0x1;
	[smem:$0x7FF] =	sst s3;
	s8 =	smul.u32 $0x13C00, s0  }
0x6: {  	s29 =	smul.u32 $0x4F000, s0;
	s31 =	sshll.u32 s0, $0x6;
	s4 =	sor.u32 s6, s26  }
0x7: {  	_ =	strace $0x8000004D;
	s9 =	smul.u32 $0x13C000, s6;
	s6 =	ssub.s32 $0x2, s6  }
0x8: {  	s7 =	smul.u32 $0x500, s4;
	s4 =	sadd.s32 $0x3D400, s5;
	s28 =	sshrl.u32 s8, $0x3  }
0x9: {  	s11 =	sshrl.u32 s6, $0x1;
	s30 =	sshrl.u32 s29, $0x2;
	s8 =	sadd.s32 s8, s9  }
0xa: {  	s11 =	ssub.s32 s6, s11;
	s13 =	sadd.s32 s30, s2;
	s6 =	sor.u32 $0x1C02, s31  }
0xb: {  	s10 =	sadd.s32 s7, s5;
	s7 =	sadd.s32 s28, s5;
	s8 =	sshrl.u32 s8, $0x3  }
0xc: {  	s12 =	sadd.s32 s8, s5;
	s5 =	sadd.s32 $0x15C00, s7;
	s7 =	sadd.s32 $0x8C400, s10  }
0xd: {  	s8 =	sadd.s32 $0x96400, s10;
	s10 =	smax.u32 s11, $0x1;
	s11 =	sshrl.u32 s13, $0x3  }
0xe: {  	s13 =	simm.s32 $0x2800;
	s9 =	sadd.s32 $0xA0400, s12;
	s12 =	simm.s32 $0x2  }
.LBB2_1:
0xf: {  	[spmem:s11], [sflag:s6] =	dma.local [hbm:s5], $0x2780  }
0x10: {  	_ =	swait.ge [sflag:s12], $0x2780  }
0x11: {  	[sflag:s12] =	ssyncset.done $0x0  }
0x12: {  	[sflag:s12] =	ssyncadd.s32 $0xFFFFD880  }
0x13: {  	[tilespmem:s3], [sflag:$0x2] =	stream.linear.gather [hbm4b:s7+s3], $0x2780, $0x38;
	[tilespmem:$0x1CC00] =	vst v63  }
0x14: {  	_ =	swait.ge [sflag:s12], $0x2780  }
0x15: {  	[sflag:s12] =	ssyncset.done $0x0  }
0x16: {  	[sflag:s12] =	ssyncadd.s32 $0xFFFFD880  }
0x17: {  	[tilespmem:s13], [sflag:$0x2] =	stream.linear.gather [hbm4b:s8+s3], $0x2780, $0x38;
	[tilespmem:$0x1CC00] =	vst v63  }
0x18: {  	_ =	swait.ge [sflag:s12], $0x2780  }
0x19: {  	[sflag:s12] =	ssyncset.done $0x0  }
0x1a: {  	[sflag:s12] =	ssyncadd.s32 $0xFFFFD880  }
0x1b: {  	s18 =	simm.s32 $0x0;
	[bflag:$0x0] =	sbarrier.arrive $0xFFFF  }
0x1c: {  	[tilespmem:s15], [sflag:$0x1] =	stream.indirect.gather [hbm4b:s4+s14], $0x80, s18, s14, $0xb8;
	[tilespmem:$0x1CC00] =	vst v63  }
0x1d: {  	_ =	swait.ge [sflag:s16], $0x4000  }
0x1e: {  	[sflag:s16] =	ssyncset.done $0x0  }
0x1f: {  	s31 =	simm.s32 $0x2800;
	[sflag:s16] =	ssyncadd.s32 $0xFFFFC000  }
0x20: {  	[spmem:s2] =	stream.indirect.scatter.add.f32 [tilespmem:s15], [sflag:$0x2], $0x80, s31, s14, $0xb8;
	[tilespmem:$0x1CC00] =	vst v63  }
0x21: {  	_ =	swait.ge [sflag:s12], $0x4000  }
0x22: {  	s19 =	simm.s32 $0x400;
	s18 =	simm.s32 $0x200;
	[sflag:s12] =	ssyncset.done $0x0  }
.LBB2_2:
0x23: {  	s20 =	sshra.s32 s18, $0x2  }
0x24: {  	[sflag:s12] =	ssyncadd.s32 $0xFFFFC000;
	s18 =	smov.u32 s19;
	s21 =	sadd.s32 $0x200, s19  }
0x25: {  	[tilespmem:s15], [sflag:$0x1] =	stream.indirect.gather [hbm4b:s4+s14], $0x80, s20, s14, $0xb8;
	[tilespmem:$0x1CC00] =	vst v63  }
0x26: {  	p0 =	sne.s32 s19, $0x9C00;
	_ =	swait.ge [sflag:s16], $0x4000  }
.Ltmp0:
0x27: {  	[sflag:s16] =	ssyncset.done $0x0;
	(pc) =	sbr.rel @p0 .LBB2_2-.Ltmp0, $4  }
0x28: {  	s19 =	sadd.s32 $0x2800, s20;
	[sflag:s16] =	ssyncadd.s32 $0xFFFFC000  }
0x29: {  	[spmem:s2] =	stream.indirect.scatter.add.f32 [tilespmem:s15], [sflag:$0x2], $0x80, s19, s14, $0xb8;
	[tilespmem:$0x1CC00] =	vst v63  }
0x2a: {  	_ =	swait.ge [sflag:s12], $0x4000  }
0x2b: {  	s19 =	smov.u32 s21;
	[sflag:s12] =	ssyncset.done $0x0  }
0x2c: {  	s18 =	sshra.s32 s18, $0x2;
	[sflag:s12] =	ssyncadd.s32 $0xFFFFC000  }
0x2d: {  	[tilespmem:s15], [sflag:$0x1] =	stream.indirect.gather [hbm4b:s4+s14], $0x80, s18, s14, $0xb8;
	[tilespmem:$0x1CC00] =	vst v63  }
0x2e: {  	_ =	swait.ge [sflag:s16], $0x4000  }
0x2f: {  	[sflag:s16] =	ssyncset.done $0x0  }
0x30: {  	s18 =	sadd.s32 $0x2800, s18;
	[sflag:s16] =	ssyncadd.s32 $0xFFFFC000  }
0x31: {  	[spmem:s2] =	stream.indirect.scatter.add.f32 [tilespmem:s15], [sflag:$0x2], $0x80, s18, s14, $0xb8;
	[tilespmem:$0x1CC00] =	vst v63  }
0x32: {  	_ =	swait.ge [sflag:s12], $0x4000  }
0x33: {  	s17 =	sadd.s32 $0x1, s17;
	[sflag:s12] =	ssyncset.done $0x0  }
0x34: {  	p0 =	sne.s32 s17, s10;
	[sflag:s12] =	ssyncadd.s32 $0xFFFFC000  }
.Ltmp1:
0x35: {  	[bflag:$0x0] =	sbarrier.arrive $0xFFFF;
	(pc) =	sbr.rel @p0 .LBB2_1-.Ltmp1, $4  }
0x36: {  	[hbm:s9], [sflag:s6] =	dma.local [spmem:s11], $0x2780  }
0x37: {  	_ =	swait.ge [sflag:s12], $0x2780  }
0x38: {  	[sflag:s12] =	ssyncset.done $0x0  }
0x39: {  	[sflag:s12] =	ssyncadd.s32 $0xFFFFD880  }
0x3a: {  	_ =	sfence.sel $0x180000  }
0x3b: {  	[bflag:$0x0] =	sbarrier.arrive $0xFFFF  }
0x3c: {  	p0 =	sne.s32 s0, $0x0;
	_ =	strace $0x9000004D  }
0x3d: {  	s0 =	sadd.s32 @!p0 $0x100000, s1;
	[bflag:$0x2] =	sbarrier.arrive $0xFFFF  }
0x3e: {  	[sflag:s0] =	ssyncadd.tile.s32 @!p0 $0x1;
	_ =	shalt  }
.Lfunc_end2:
_tile_overlayer_lowered:
.L_overlay_start_2:
0x3f: {  	(tag) =	ssettag $0x2  }
0x40: {  	s0 =	rddreg [dreg:$0x0];
	s2 =	stileid.u32  }
0x41: {  	s1 =	rddreg [dreg:$0x1];
	p0 =	sne.s32 s2, $0x0  }
0x42: {  	s3 =	rddreg [dreg:$0x2];
	[bflag:$0x3] =	sbarrier.arrive $0xFFFF;
	s2 =	simm.s32 @!p0 $0x1C02  }
0x43: {  	[timem:s3], [sflag:s2] =	dma.local @!p0 [hbm:s0], s1  }
0x44: {  	s0 =	simm.s32 @!p0 $0x2  }
0x45: {  	_ =	swait.ge @!p0 [sflag:s0], s1  }
0x46: {  	s1 =	ssub.s32 @!p0 $0x0, s1;
	[sflag:s0] =	ssyncset.done @!p0 $0x0  }
0x47: {  	[sflag:s0] =	ssyncadd.s32 @!p0 s1  }
0x48: {  	[bflag:$0x3] =	sbarrier.arrive $0xFFFF  }
0x49: {  	_ =	shalt  }

// kernel: kernel.8.cloned.1.call-start
scs
__scs_entry_jumppad:
0x0: {  	(pc) =	sbr.rel $0x88, $3  }
0x1: {  	(tag) =	ssettag $0x0;
	lr =	simm.s32 $0x1  }
0x2: {  	[smem:$0x3F9D] =	sst lr;
	_ =	strace $0xD0000000  }
0x3: {  	_ = 	snop  }
0x4: {  	_ = 	snop  }
0x5: {  	_ = 	snop  }
0x6: {  	_ = 	snop  }
0x7: {  	_ = 	snop  }
__scs_overlays_trampoline_lowered:
0x8: {  	[smem:$0x3FAC] =	sst s0  }
0x9: {  	[smem:$0x3FAD] =	sst s1  }
0xa: {  	[smem:$0x3FAE] =	sst s2  }
0xb: {  	[smem:$0x3FAF] =	sst s3  }
0xc: {  	[smem:$0x3FB0] =	sst s4  }
0xd: {  	[smem:$0x3FB1] =	sst s5  }
0xe: {  	[smem:$0x3FB2] =	sst s6  }
0xf: {  	[smem:$0x3FB3] =	sst s7  }
0x10: {  	[smem:$0x3FB4] =	sst s8  }
0x11: {  	[smem:$0x3FB5] =	sst s9;
	s0 =	simm.s32 @!p0 $0x0  }
0x12: {  	s1 =	sld [smem:$0x3F9B];
	s0 =	simm.s32 @p0 $0x1  }
0x13: {  	[smem:$0x3FB6] =	sst s0;
	s0 =	simm.s32 @!p1 $0x0  }
0x14: {  	s2 =	sld [smem:$0x3F9A];
	s0 =	simm.s32 @p1 $0x1  }
0x15: {  	[smem:$0x3FB7] =	sst s0;
	s0 =	simm.s32 @!p2 $0x0  }
0x16: {  	s3 =	sld [smem:$0x3FDB];
	s0 =	simm.s32 @p2 $0x1  }
0x17: {  	s4 =	simm.s32 $0x1BF5;
	[smem:$0x3FB9] =	sst s0  }
0x18: {  	s0 =	sld [smem:$0x3F9C];
	_ =	swait.ge [sflag:s4], $0x0  }
0x19: {  	s7 =	sld [smem:$0x3F9D]  }
0x1a: {  	s8 =	sadd.s32 $0xFFFFE003, lr  }
0x1b: {  	s9 =	sadd.s32 $0xFFFFFEF7, lr;
	s5 =	simm.s32 $0xFFFFFFFF;
	p2 =	slt.u32 s8, $0xFFFFF086  }
0x1c: {  	p1 =	slt.u32 s9, $0xF7A;
	s5 =	simm.s32 @!p2 $0x0  }
0x1d: {  	s5 =	simm.s32 @p1 $0x1;
	p0 =	seq.s32 s7, s2  }
0x1e: {  	s7 =	smul.u32 @!p0 $0xF7A, s2;
	p2 =	seq.s32 @!p0 s5, $0x0  }
0x1f: {  	s9 =	smul.u32 $0xF7A, s1;
	s8 =	simm.s32 @!p0 $0x1BF5;
	p2 =	por !p2, p0  }
0x20: {  	[sflag:s8] =	ssyncset.s32 @!p0 $0xFFFFF086;
	s6 =	sadd.s32 @!p0 s3, s7;
	s7 =	simm.s32 @!p0 $0x108  }
0x21: {  	s3 =	sadd.s32 s3, s9;
	s6 =	sadd.s32 @!p0 $0x88, s6;
	s7 =	simm.s32 @p2 $0x1082  }
0x22: {  	[simem:s7], [sflag:s8] =	dma.local @!p0 [hbm:s6], $0xF7A  }
0x23: {  	s9 =	sor.u32 $0xD0000000, s2;
	s6 =	simm.s32 $0x108;
	_ =	swait.ge @!p0 [sflag:s8], $0x0  }
0x24: {  	s3 =	sadd.s32 $0x88, s3;
	s6 =	simm.s32 @!p1 $0x1082;
	[sflag:s4] =	ssyncset.s32 $0xFFFFF086  }
0x25: {  	[simem:s6], [sflag:s4] =	dma.local [hbm:s3], $0xF7A  }
0x26: {  	[smem:$0x3F9D] =	sst s1;
	(tag) =	ssettag s2;
	_ =	strace s9  }
0x27: {  	s1 =	sld [smem:$0x3FAD]  }
0x28: {  	s2 =	sld [smem:$0x3FAE]  }
0x29: {  	s4 =	sld [smem:$0x3FB0]  }
0x2a: {  	p0 =	seq.s32 s5, $0x0;
	s5 =	sld [smem:$0x3FB1]  }
0x2b: {  	s6 =	sld [smem:$0x3FB2]  }
0x2c: {  	s7 =	sld [smem:$0x3FB3]  }
0x2d: {  	s3 =	simm.s32 $0x108;
	s8 =	sld [smem:$0x3FB4]  }
0x2e: {  	s3 =	simm.s32 @!p0 $0x1082;
	s9 =	sld [smem:$0x3FB5]  }
0x2f: {  	lr =	sadd.s32 s0, s3;
	s0 =	sld [smem:$0x3FAC]  }
0x30: {  	s3 =	sld [smem:$0x3FAF]  }
0x31: {  	[smem:$0x3FB8] =	sst s10  }
0x32: {  	s10 =	sld [smem:$0x3FB6];
	_ =	sdelay $0x3  }
0x33: {  	p0 =	seq.s32 s10, $0x1;
	s10 =	sld [smem:$0x3FB8];
	_ =	sdelay $0x3  }
0x34: {  	[smem:$0x3FB8] =	sst s10  }
0x35: {  	s10 =	sld [smem:$0x3FB7];
	_ =	sdelay $0x3  }
0x36: {  	p1 =	seq.s32 s10, $0x1;
	s10 =	sld [smem:$0x3FB8];
	_ =	sdelay $0x3  }
0x37: {  	[smem:$0x3FB8] =	sst s10  }
0x38: {  	s10 =	sld [smem:$0x3FB9]  }
0x39: {  	_ = 	snop;
	(pc) =	sbr.ind lr, $3  }
0x3a: {  	_ = 	snop  }
0x3b: {  	_ = 	snop  }
0x3c: {  	p2 =	seq.s32 s10, $0x1;
	s10 =	sld [smem:$0x3FB8]  }
0x3d: {  	_ =	shalt  }
0x3e: {  	_ =	shalt  }
0x3f: {  	_ =	shalt  }
0x40: {  	_ =	shalt  }
0x41: {  	_ =	shalt  }
0x42: {  	_ =	shalt  }
0x43: {  	_ =	shalt  }
0x44: {  	_ =	shalt  }
0x45: {  	_ =	shalt  }
0x46: {  	_ =	shalt  }
0x47: {  	_ =	shalt  }
0x48: {  	_ =	shalt  }
0x49: {  	_ =	shalt  }
0x4a: {  	_ =	shalt  }
0x4b: {  	_ =	shalt  }
0x4c: {  	_ =	shalt  }
0x4d: {  	_ =	shalt  }
0x4e: {  	_ =	shalt  }
0x4f: {  	_ =	shalt  }
0x50: {  	_ =	shalt  }
0x51: {  	_ =	shalt  }
0x52: {  	_ =	shalt  }
0x53: {  	_ =	shalt  }
0x54: {  	_ =	shalt  }
0x55: {  	_ =	shalt  }
0x56: {  	_ =	shalt  }
0x57: {  	_ =	shalt  }
0x58: {  	_ =	shalt  }
0x59: {  	_ =	shalt  }
0x5a: {  	_ =	shalt  }
0x5b: {  	_ =	shalt  }
0x5c: {  	_ =	shalt  }
0x5d: {  	_ =	shalt  }
0x5e: {  	_ =	shalt  }
0x5f: {  	_ =	shalt  }
0x60: {  	_ =	shalt  }
0x61: {  	_ =	shalt  }
0x62: {  	_ =	shalt  }
0x63: {  	_ =	shalt  }
0x64: {  	_ =	shalt  }
0x65: {  	_ =	shalt  }
0x66: {  	_ =	shalt  }
0x67: {  	_ =	shalt  }
0x68: {  	_ =	shalt  }
0x69: {  	_ =	shalt  }
0x6a: {  	_ =	shalt  }
0x6b: {  	_ =	shalt  }
0x6c: {  	_ =	shalt  }
0x6d: {  	_ =	shalt  }
0x6e: {  	_ =	shalt  }
0x6f: {  	_ =	shalt  }
0x70: {  	_ =	shalt  }
0x71: {  	_ =	shalt  }
0x72: {  	_ =	shalt  }
0x73: {  	_ =	shalt  }
0x74: {  	_ =	shalt  }
0x75: {  	_ =	shalt  }
0x76: {  	_ =	shalt  }
0x77: {  	_ =	shalt  }
0x78: {  	_ =	shalt  }
0x79: {  	_ =	shalt  }
0x7a: {  	_ =	shalt  }
0x7b: {  	_ =	shalt  }
0x7c: {  	_ =	shalt  }
0x7d: {  	_ =	shalt  }
0x7e: {  	_ =	shalt  }
0x7f: {  	_ =	shalt  }
0x80: {  	_ =	shalt  }
0x81: {  	_ =	shalt  }
0x82: {  	_ =	shalt  }
0x83: {  	_ =	shalt  }
0x84: {  	_ =	shalt  }
0x85: {  	_ =	shalt  }
0x86: {  	_ =	shalt  }
0x87: {  	_ =	shalt  }
.Lfunc_end0:
.L_simem_size_0:
called_computation_lowered:
.L_overlay_start_0:
0x88: {  	s2 =	sld [smem:$0x3FD9]  }
0x89: {  	s3 =	sld [smem:$0x3FFE];
	_ =	sdelay $0x1  }
0x8a: {  	s1 =	srdreg.scid  }
0x8b: {  	s0 =	sand.u32 $0x1, s1  }
0x8c: {  	s17 =	sshll.u32 s0, $0xA;
	s2 =	sadd.s32 s3, s2  }
0x8d: {  	s2 =	sadd.s32 s2, s17  }
0x8e: {  	[smem:$0x3FC4] =	sst s2  }
0x8f: {  	_ = 	snop  }
0x90: {  	s2 =	sld [smem:$0x3FD0];
	(tm) =	ssettm $0x1  }
0x91: {  	s18 =	sld [smem:$0x3FFB];
	_ =	sdelay $0x3  }
0x92: {  	_ =	strace s18  }
0x93: {  	s3 =	sld [smem:$0x3FFC];
	_ =	sdelay $0x3  }
0x94: {  	_ =	strace s3  }
0x95: {  	s3 =	sld [smem:$0x3FFD];
	_ =	sdelay $0x3  }
0x96: {  	_ =	strace s3  }
0x97: {  	_ =	strace $0x8FFFFFFF  }
0x98: {  	s19 =	sld [smem:$0x3FDB];
	_ =	sdelay $0x1  }
0x99: {  	s4 =	simm.s32 $_scs_section_size  }
0x9a: {  	s5 =	simm.s32 $_size__tile_overlayer_lowered;
	s6 =	simm.s32 $_tile_overlayer_lowered  }
0x9b: {  	s22 =	simm.s32 $0x1BFF;
	s21 =	sshll.u32 s6, $0x1;
	s3 =	sadd.s32 s4, s19  }
0x9c: {  	s7 =	simm.s32 $0x0;
	s20 =	sshll.u32 s5, $0x1;
	s5 =	sadd.s32 s21, s3  }
0x9d: {  	[timem:s7], [sflag:s22] =	dma.local [hbm:s5], s20  }
0x9e: {  	_ =	swait.ge [sflag:s22], s20  }
0x9f: {  	s4 =	ssub.s32 $0x0, s20;
	[sflag:s22] =	ssyncset.done $0x0  }
0xa0: {  	[sflag:s22] =	ssyncadd.s32 s4;
	_ =	sdelay $0x1  }
0xa1: {  	s23 =	simm.s32 $0x1B8B  }
0xa2: {  	_ =	swait.ge [sflag:s23], $0x1  }
0xa3: {  	[sflag:s23] =	ssyncset.done $0x0  }
0xa4: {  	s25 =	simm.s32 $0x1B8E;
	s24 =	sld [smem:$0x3FFE];
	[sflag:s23] =	ssyncadd.s32 $0xFFFFFFFF  }
0xa5: {  	s26 =	simm.s32 $execute0_lowered;
	[smem:$0x3FD2] =	sst s25  }
0xa6: {  	s5 =	sshll.u32 s26, $0x1;
	_ =	strace $0x80000046;
	[dreg:$0x1] =	wrdreg $0xFFFFFFFF  }
0xa7: {  	s28 =	simm.s32 $_size_execute0_lowered;
	s3 =	sadd.s32 s3, s5;
	[dreg:$0x0] =	wrdreg $0x0  }
0xa8: {  	s5 =	sshll.u32 s28, $0x1;
	[dreg:$0x2] =	wrdreg s3  }
0xa9: {  	[dreg:$0x3] =	wrdreg s5  }
0xaa: {  	[dreg:$0x4] =	wrdreg $0xC0  }
0xab: {  	_ =	task [dreg:s7], $0x5FFFF  }
0xac: {  	[dreg:$0x1] =	wrdreg $0xFFFFFFFF  }
0xad: {  	[dreg:$0x0] =	wrdreg $0x60  }
0xae: {  	[dreg:$0x2] =	wrdreg s24  }
0xaf: {  	[dreg:$0x3] =	wrdreg s2  }
0xb0: {  	[dreg:$0x4] =	wrdreg $0x90000  }
0xb1: {  	[dreg:$0x5] =	wrdreg $0x9  }
0xb2: {  	_ =	task.clear_ibuf [dreg:s7], $0x6FFFF;
	_ =	strace $0x90000046  }
0xb3: {  	s29 =	simm.s32 $0x9;
	_ =	strace $0x80000048  }
0xb4: {  	_ =	swait.ge [sflag:s29], $0x1  }
0xb5: {  	[sflag:s29] =	ssyncadd.s32 $0xFFFFFFFF  }
0xb6: {  	_ =	strace $0x90000048  }
0xb7: {  	_ =	sfence  }
0xb8: {  	s30 =	sld [smem:$0x0];
	_ =	sdelay $0x2  }
0xb9: {  	s31 =	sshll.u32 s1, $0xD;
	s1 =	sshrl.u32 s1, $0x2  }
0xba: {  	s3 =	sand.u32 $0x4000, s31;
	s1 =	sadd.s32 s1, s30  }
0xbb: {  	s0 =	sor.u32 s3, s0;
	s1 =	sshll.u32 s1, $0x11  }
0xbc: {  	s0 =	sor.u32 s1, s0  }
0xbd: {  	s0 =	sadd.s32 $0x8F2B, s0  }
0xbe: {  	[sflag:s0] =	ssyncadd.remote.s32 $0x1  }
0xbf: {  	_ =	sfence.sel $0xFFFF  }
0xc0: {  	[dreg:$0x0] =	wrdreg $0xFFFFFFFF;
	(pc) =	sbr.abs _section_cstart, $3  }
0xc1: {  	[dreg:$0x1] =	wrdreg $0xFFFFFFFF  }
0xc2: {  	_ =	task.clear_ibuf [dreg:s7], $0x2FFFF;
	_ =	strace $0x9FFFFFFF  }
0xc3: {  	(tm) =	ssettm $0x7FFFFFFF  }
tec
execute0_lowered:
.L_overlay_start_1:
0x0: {  	(tag) =	ssettag $0x1  }
0x1: {  	s5 =	rddreg [dreg:$0x0]  }
0x2: {  	s0 =	srdreg.scid;
	s2 =	rddreg [dreg:$0x1]  }
0x3: {  	s3 =	rddreg [dreg:$0x2];
	s6 =	sand.u32 $0x1, s0  }
0x4: {  	s0 =	stileid.u32;
	s7 =	smul.u32 $0x50000, s6  }
0x5: {  	s1 =	rddreg [dreg:$0x3];
	s8 =	smul.u32 $0x5000, s0  }
0x6: {  	s4 =	simm.s32 $0x0;
	s13 =	simm.s32 $0x80;
	s28 =	smul.u32 $0x13C00, s0  }
0x7: {  	s14 =	simm.s32 $0x0;
	[smem:$0x7FF] =	sst s4;
	s9 =	smul.u32 $0x13C000, s6  }
0x8: {  	_ =	strace $0x80000047;
	s6 =	ssub.s32 $0x2, s6;
	s29 =	smul.u32 $0x4F000, s0  }
0x9: {  	s31 =	sshll.u32 s0, $0x6;
	s11 =	sshrl.u32 s6, $0x1;
	s7 =	sadd.s32 s8, s7  }
0xa: {  	s10 =	sshrl.u32 s28, $0x3;
	s8 =	sadd.s32 s28, s9;
	s11 =	ssub.s32 s6, s11  }
0xb: {  	s30 =	sshrl.u32 s29, $0x2;
	s6 =	sor.u32 $0x1C01, s31;
	s7 =	sshrl.u32 s7, $0x3  }
0xc: {  	s10 =	sadd.s32 s10, s5;
	s8 =	sshrl.u32 s8, $0x3;
	s12 =	sadd.s32 s30, s3  }
0xd: {  	s9 =	smax.u32 s11, $0x1;
	s11 =	simm.s32 $0x1;
	s7 =	sadd.s32 s7, s5  }
0xe: {  	s8 =	sadd.s32 s8, s5;
	s5 =	sadd.s32 $0x15C00, s10;
	s10 =	sshrl.u32 s12, $0x3  }
0xf: {  	s12 =	simm.s32 $0x5000;
	s7 =	sadd.s32 $0x1C00, s7;
	s8 =	sadd.s32 $0x3D400, s8  }
.LBB2_1:
0x10: {  	[spmem:s10], [sflag:s6] =	dma.local [hbm:s5], $0x2780  }
0x11: {  	_ =	swait.ge [sflag:s11], $0x2780  }
0x12: {  	[sflag:s11] =	ssyncset.done $0x0  }
0x13: {  	[sflag:s11] =	ssyncadd.s32 $0xFFFFD880  }
0x14: {  	[tilespmem:s12], [sflag:$0x1] =	stream.linear.gather [hbm4b:s2+s4], $0x4000, $0x38;
	[tilespmem:$0x1CC00] =	vst v63  }
0x15: {  	_ =	swait.ge [sflag:s11], $0x4000  }
0x16: {  	[sflag:s11] =	ssyncset.done $0x0  }
0x17: {  	[sflag:s11] =	ssyncadd.s32 $0xFFFFC000  }
0x18: {  	[tilespmem:s4], [sflag:$0x1] =	stream.linear.gather [hbm4b:s7+s4], $0x4F00, $0x38;
	[tilespmem:$0x1CC00] =	vst v63  }
0x19: {  	_ =	swait.ge [sflag:s11], $0x4F00  }
0x1a: {  	[sflag:s11] =	ssyncset.done $0x0  }
0x1b: {  	[sflag:s11] =	ssyncadd.s32 $0xFFFFB100  }
0x1c: {  	s15 =	simm.s32 $0x0;
	[bflag:$0x0] =	sbarrier.arrive $0xFFFF  }
0x1d: {  	[spmem:s3] =	stream.indirect.scatter.add.f32 [tilespmem:s12], [sflag:$0x1], $0x80, s15, s13, $0xb8;
	[tilespmem:$0x1CC00] =	vst v63  }
0x1e: {  	_ =	swait.ge [sflag:s11], $0x4000  }
0x1f: {  	s15 =	simm.s32 $0x200;
	[sflag:s11] =	ssyncset.done $0x0  }
.LBB2_2:
0x20: {  	s16 =	sshra.s32 s15, $0x2;
	[sflag:s11] =	ssyncadd.s32 $0xFFFFC000;
	p0 =	sne.s32 s15, $0x13A00  }
0x21: {  	[spmem:s3] =	stream.indirect.scatter.add.f32 [tilespmem:s12], [sflag:$0x1], $0x80, s16, s13, $0xb8;
	[tilespmem:$0x1CC00] =	vst v63  }
.Ltmp0:
0x22: {  	_ = 	snop;
	(pc) =	sbr.rel @p0 .LBB2_2-.Ltmp0, $4  }
0x23: {  	_ = 	snop  }
0x24: {  	s15 =	sadd.s32 $0x200, s15  }
0x25: {  	_ =	swait.ge [sflag:s11], $0x4000  }
0x26: {  	[sflag:s11] =	ssyncset.done $0x0  }
0x27: {  	s14 =	sadd.s32 $0x1, s14  }
0x28: {  	[sflag:s11] =	ssyncadd.s32 $0xFFFFC000;
	p0 =	sne.s32 s14, s9  }
.Ltmp1:
0x29: {  	[bflag:$0x0] =	sbarrier.arrive $0xFFFF;
	(pc) =	sbr.rel @p0 .LBB2_1-.Ltmp1, $4  }
0x2a: {  	[hbm:s8], [sflag:s6] =	dma.local [spmem:s10], $0x2780  }
0x2b: {  	_ =	swait.ge [sflag:s11], $0x2780  }
0x2c: {  	[sflag:s11] =	ssyncset.done $0x0  }
0x2d: {  	[sflag:s11] =	ssyncadd.s32 $0xFFFFD880  }
0x2e: {  	_ =	sfence.sel $0x180000  }
0x2f: {  	[bflag:$0x0] =	sbarrier.arrive $0xFFFF  }
0x30: {  	p0 =	sne.s32 s0, $0x0;
	_ =	strace $0x90000047  }
0x31: {  	s0 =	sadd.s32 @!p0 $0x100000, s1;
	[bflag:$0x2] =	sbarrier.arrive $0xFFFF  }
0x32: {  	[sflag:s0] =	ssyncadd.tile.s32 @!p0 $0x1;
	_ =	shalt  }
.Lfunc_end2:
_tile_overlayer_lowered:
.L_overlay_start_2:
0x33: {  	(tag) =	ssettag $0x2  }
0x34: {  	s0 =	rddreg [dreg:$0x0];
	s2 =	stileid.u32  }
0x35: {  	s1 =	rddreg [dreg:$0x1];
	p0 =	sne.s32 s2, $0x0  }
0x36: {  	s3 =	rddreg [dreg:$0x2];
	[bflag:$0x3] =	sbarrier.arrive $0xFFFF;
	s2 =	simm.s32 @!p0 $0x1C01  }
0x37: {  	[timem:s3], [sflag:s2] =	dma.local @!p0 [hbm:s0], s1  }
0x38: {  	s0 =	simm.s32 @!p0 $0x1  }
0x39: {  	_ =	swait.ge @!p0 [sflag:s0], s1  }
0x3a: {  	s1 =	ssub.s32 @!p0 $0x0, s1;
	[sflag:s0] =	ssyncset.done @!p0 $0x0  }
0x3b: {  	[sflag:s0] =	ssyncadd.s32 @!p0 s1  }
0x3c: {  	[bflag:$0x3] =	sbarrier.arrive $0xFFFF  }
0x3d: {  	_ =	shalt  }

</sc_bundles>
